<compile_context>
chip_gen: v7x
topology: tpu7x:2x2x1
jax: 0.10.2.dev20260603
libtpu: 0.0.44.dev20260713+nightly
codegen_flags: <defaults>
</compile_context>

<pallas_src>
import functools

import jax
import jax.numpy as jnp
from jax import lax
from jax.experimental import pallas as pl
from jax.experimental.pallas import tpu as pltpu
from jax.experimental.pallas import tpu_sc as plsc

N = 10000
E = 320000
D = 128
NC = 2
NS = 16
NW = NC * NS
C = 128
CHN = 80
EW = C * CHN
E_PAD = NW * EW
RPT = 640
N_PAD = NS * RPT
RB = 1280


def _mesh():
    return plsc.VectorSubcoreMesh(core_axis_name="c", subcore_axis_name="s")


DW = 128


def _deg_body(src_hbm, ones_hbm, zeros_hbm, out_hbm, idx_v, ones_v, deg_sh):
    c = lax.axis_index("c")
    s = lax.axis_index("s")
    wid = c * NS + s
    pltpu.sync_copy(zeros_hbm, deg_sh.at[pl.ds(s * RPT, RPT)])
    pltpu.sync_copy(src_hbm.at[wid], idx_v)
    pltpu.sync_copy(ones_hbm, ones_v)
    plsc.subcore_barrier()

    def body(j, _):
        pltpu.sync_copy(ones_v, deg_sh.at[idx_v.at[j]], add=True)
        return 0

    lax.fori_loop(0, CHN, body, 0)
    plsc.subcore_barrier()
    pltpu.sync_copy(deg_sh.at[pl.ds(s * RPT, RPT)],
                    out_hbm.at[c, pl.ds(s * RPT, RPT)])


_deg_call = functools.partial(
    pl.kernel,
    out_type=jax.ShapeDtypeStruct((NC, N_PAD, DW), jnp.float32),
    mesh=_mesh(),
    scratch_types=[
        pltpu.VMEM((CHN, C), jnp.int32),
        pltpu.VMEM((C, DW), jnp.float32),
        pltpu.VMEM_SHARED((N_PAD, DW), jnp.float32),
    ],
)(_deg_body)


CH = CHN // 2


def _scat_body(src_hbm, dst_hbm, u_hbm, out_hbm,
               src_v, dst_v, rows0_v, rows1_v, z_sh, sem0, sem1):
    c = lax.axis_index("c")
    s = lax.axis_index("s")
    wid = c * NS + s
    zeros16 = jnp.zeros((16,), jnp.float32)

    def zrow(i, _):
        for k in range(D // 16):
            rows0_v[i, pl.ds(k * 16, 16)] = zeros16
        return 0

    lax.fori_loop(0, C, zrow, 0)
    for r in range(RPT // C):
        pltpu.sync_copy(rows0_v, z_sh.at[pl.ds(s * RPT + r * C, C)])
    plsc.subcore_barrier()

    def gather(j, buf, sem):
        pltpu.async_copy(u_hbm.at[src_v.at[j]], buf, sem)

    def gwait(j, buf, sem):
        pltpu.make_async_copy(u_hbm.at[src_v.at[j]], buf, sem).wait()

    for h in (0, 1):
        pltpu.sync_copy(src_hbm.at[wid, pl.ds(h * CH, CH)], src_v)
        pltpu.sync_copy(dst_hbm.at[wid, pl.ds(h * CH, CH)], dst_v)
        gather(0, rows0_v, sem0)
        gather(1, rows1_v, sem1)

        def body(i, _):
            j0 = 2 * i
            j1 = 2 * i + 1
            gwait(j0, rows0_v, sem0)
            pltpu.sync_copy(rows0_v, z_sh.at[dst_v.at[j0]], add=True)

            @pl.when(j0 + 2 < CH)
            def _():
                gather(j0 + 2, rows0_v, sem0)

            gwait(j1, rows1_v, sem1)
            pltpu.sync_copy(rows1_v, z_sh.at[dst_v.at[j1]], add=True)

            @pl.when(j1 + 2 < CH)
            def _():
                gather(j1 + 2, rows1_v, sem1)

            return 0

        lax.fori_loop(0, CH // 2, body, 0)
    plsc.subcore_barrier()
    pltpu.sync_copy(z_sh.at[pl.ds(s * RPT, RPT)],
                    out_hbm.at[c, pl.ds(s * RPT, RPT)])


_scat_call = functools.partial(
    pl.kernel,
    out_type=jax.ShapeDtypeStruct((NC, N_PAD, D), jnp.float32),
    mesh=_mesh(),
    scratch_types=[
        pltpu.VMEM((CH, C), jnp.int32),
        pltpu.VMEM((CH, C), jnp.int32),
        pltpu.VMEM((C, D), jnp.float32),
        pltpu.VMEM((C, D), jnp.float32),
        pltpu.VMEM_SHARED((N_PAD, D), jnp.float32),
        pltpu.SemaphoreType.DMA,
        pltpu.SemaphoreType.DMA,
    ],
)(_scat_body)


def _dis_block(dega, degb):
    degs = dega[:, :1] + degb[:, :1]
    dis = jnp.where(degs > 0,
                    lax.rsqrt(jnp.maximum(degs, 1e-12)),
                    0.0)
    return degs, dis


def _tc1_body(xp_ref, dega_ref, degb_ref, w_ref, u0_ref, out0_ref):
    _, dis = _dis_block(dega_ref[...], degb_ref[...])
    xb = xp_ref[...]
    u0_ref[...] = dis * xb
    out0_ref[...] = jnp.dot(xb, w_ref[...], preferred_element_type=jnp.float32)


def _tc2_body(z0a_ref, z0b_ref, dega_ref, degb_ref, w_ref, out0_ref,
              u1_ref, acc_ref):
    zs = z0a_ref[...] + z0b_ref[...]
    degs, dis = _dis_block(dega_ref[...], degb_ref[...])
    u1_ref[...] = jnp.where(degs > 0, -(zs / jnp.maximum(degs, 1e-12)), 0.0)
    acc_ref[...] = out0_ref[...] - dis * jnp.dot(
        zs, w_ref[...], preferred_element_type=jnp.float32)


def _tc3_body(z1a_ref, z1b_ref, dega_ref, degb_ref, w_ref, acc_ref, b_ref,
              o_ref):
    zs = z1a_ref[...] + z1b_ref[...]
    _, dis = _dis_block(dega_ref[...], degb_ref[...])
    o_ref[...] = (acc_ref[...]
                  - 2.0 * dis * jnp.dot(zs, w_ref[...],
                                        preferred_element_type=jnp.float32)
                  + b_ref[...])


def _row_spec():
    return pl.BlockSpec((RB, D), lambda i: (i, 0))


def _degt_spec():
    return pl.BlockSpec((RB, DW), lambda i: (i, 0))


def _w_spec():
    return pl.BlockSpec((D, D), lambda i: (0, 0))


_GRID = (N_PAD // RB,)


def kernel(x, edge_index, Ws, bias):
    src = edge_index[0]
    dst = edge_index[1]
    sl = src == dst
    srcm = jnp.where(sl, N, src).astype(jnp.int32)
    dstm = jnp.where(sl, N, dst).astype(jnp.int32)
    ewr = E // NW
    padw = EW - ewr
    pad_idx = jnp.broadcast_to((N + jnp.arange(padw, dtype=jnp.int32))[None],
                               (NW, padw))
    srcm_w = jnp.concatenate(
        [srcm.reshape(NW, ewr), pad_idx], axis=1).reshape(NW, CHN, C)
    src_w = jnp.concatenate(
        [src.astype(jnp.int32).reshape(NW, ewr), pad_idx],
        axis=1).reshape(NW, CHN, C)
    dst_w = jnp.concatenate(
        [dstm.reshape(NW, ewr), pad_idx], axis=1).reshape(NW, CHN, C)
    x_pad = jnp.zeros((N_PAD, D), jnp.float32).at[:N].set(x)
    zeros_blk = jnp.zeros((RPT, D), jnp.float32)
    ones_blk = jnp.ones((C, DW), jnp.float32)
    w02 = Ws[0] - Ws[2]

    degp = _deg_call(srcm_w, ones_blk, zeros_blk)
    dega, degb = degp[0], degp[1]

    u0, out0 = pl.pallas_call(
        _tc1_body,
        grid=_GRID,
        in_specs=[_row_spec(), _degt_spec(), _degt_spec(), _w_spec()],
        out_specs=[_row_spec(), _row_spec()],
        out_shape=[jax.ShapeDtypeStruct((N_PAD, D), jnp.float32),
                   jax.ShapeDtypeStruct((N_PAD, D), jnp.float32)],
    )(x_pad, dega, degb, w02)

    z0p = _scat_call(src_w, dst_w, u0)

    u1, acc1 = pl.pallas_call(
        _tc2_body,
        grid=_GRID,
        in_specs=[_row_spec(), _row_spec(), _degt_spec(), _degt_spec(),
                  _w_spec(), _row_spec()],
        out_specs=[_row_spec(), _row_spec()],
        out_shape=[jax.ShapeDtypeStruct((N_PAD, D), jnp.float32),
                   jax.ShapeDtypeStruct((N_PAD, D), jnp.float32)],
    )(z0p[0], z0p[1], dega, degb, Ws[1], out0)

    z1p = _scat_call(src_w, dst_w, u1)

    out = pl.pallas_call(
        _tc3_body,
        grid=_GRID,
        in_specs=[_row_spec(), _row_spec(), _degt_spec(), _degt_spec(),
                  _w_spec(), _row_spec(), pl.BlockSpec((1, D), lambda i: (0, 0))],
        out_specs=_row_spec(),
        out_shape=jax.ShapeDtypeStruct((N_PAD, D), jnp.float32),
    )(z1p[0], z1p[1], dega, degb, Ws[2], acc1, bias[None, :])

    return out[:N]

# --- scband reference (transcript-rebuilt; emitter-appended) ---
"""Pipeline reference for scband-cheb-conv-layer-3908420239973 (READ-ONLY COPY).

The authoritative reference and input builder live on the scoring server;
editing this copy changes nothing except your own understanding.
"""

import jax, jax.numpy as jnp
import numpy as np

N = 10000
E = 320000
D_IN = 128
D_OUT = 128
K = 3


def setup_inputs(seed: int = 0) -> dict:
    key = jax.random.key(seed)
    k1, k2, k3 = jax.random.split(key, 3)
    x = jax.random.normal(k1, (N, D_IN), dtype=jnp.float32)
    edge_index = jax.random.randint(k2, (2, E), 0, N, dtype=jnp.int32)
    # Learned params: one Linear(D_IN, D_OUT) per Chebyshev order, plus bias
    ws = []
    for k in range(K):
        kk = jax.random.fold_in(k3, k)
        ws.append(jax.random.uniform(kk, (D_IN, D_OUT), dtype=jnp.float32,
                                     minval=-1.0, maxval=1.0) / np.sqrt(D_IN))
    Ws = jnp.stack(ws, axis=0)
    bias = jnp.zeros((D_OUT,), dtype=jnp.float32)
    return {"x": x, "edge_index": edge_index, "Ws": Ws, "bias": bias}


def reference(x, edge_index, Ws, bias):
    # Faithful ChebConv (PyG) with sym normalization, lambda_max=2.0.
    # L_hat = (2/lambda_max) * (I - D^{-1/2} A D^{-1/2}) - I = -D^{-1/2} A D^{-1/2}
    src = edge_index[0]
    dst = edge_index[1]
    # remove_self_loops: zero out self-loop edge weights
    w = jnp.where(src == dst, 0.0, 1.0).astype(x.dtype)
    deg = jnp.zeros((N,), x.dtype).at[src].add(w)
    dis = jnp.where(deg > 0, jax.lax.rsqrt(jnp.maximum(deg, 1e-12)), 0.0)
    lw = -dis[src] * w * dis[dst]  # scaled-Laplacian edge weights (diag == 0)

    def lmul(v):
        # message: lw * v[src]; aggregate (scatter-add) at dst
        return jnp.zeros_like(v).at[dst].add(lw[:, None] * v[src])

    Tx0 = x
    out = Tx0 @ Ws[0]
    Tx1 = lmul(Tx0)
    out = out + Tx1 @ Ws[1]
    for k in range(2, K):
        Tx2 = 2.0 * lmul(Tx1) - Tx0
        out = out + Tx2 @ Ws[k]
        Tx0, Tx1 = Tx1, Tx2
    return out + bias

if __name__ == "__main__":
    import jax
    _d = setup_inputs()
    print(jax.jit(kernel)(*tuple(_d.values())))

</pallas_src>

<mosaic_0001>
#map = affine_map<(d0, d1) -> (0, 0, 0)>
#map1 = affine_map<(d0, d1) -> (0, 0)>
module attributes {stable_mosaic.version = 14 : i64} {
  func.func @_scat_body(%arg0: i32, %arg1: i32, %arg2: memref<32x80x128xi32, #tpu.memory_space<hbm>>, %arg3: memref<32x80x128xi32, #tpu.memory_space<hbm>>, %arg4: memref<10240x128xf32, #tpu.memory_space<hbm>>, %arg5: memref<2x10240x128xf32, #tpu.memory_space<hbm>>, %arg6: memref<40x128xi32, #tpu.memory_space<vmem>>, %arg7: memref<40x128xi32, #tpu.memory_space<vmem>>, %arg8: memref<128x128xf32, #tpu.memory_space<vmem>>, %arg9: memref<128x128xf32, #tpu.memory_space<vmem>>, %arg10: memref<10240x128xf32, #tpu.memory_space<vmem_shared>>, %arg11: memref<!tpu.dma_semaphore, #tpu.memory_space<semaphore_mem>>, %arg12: memref<!tpu.dma_semaphore, #tpu.memory_space<semaphore_mem>>) attributes {dimension_semantics = [#tpu.dimension_semantics<core_parallel>, #tpu.dimension_semantics<subcore_parallel>], iteration_bounds = array<i64: 2, 16>, scalar_prefetch = 0 : i64, scratch_operands = 7 : i64, tpu.core_type = #tpu.core_type<sc_vector_subcore>, window_params = [{transform_indices = #map}, {transform_indices = #map}, {transform_indices = #map1}, {transform_indices = #map}]} {
    %mul3A = arith.constant 16 : i32
    %mul3A_0 = arith.muli %arg0, %mul3A : i32
    %add3A = arith.addi %mul3A_0, %arg1 : i32
    %broadcast_in_dim3A = arith.constant 0.000000e+00 : f32
    %broadcast_in_dim3A_1 = vector.broadcast %broadcast_in_dim3A : f32 to vector<16xf32>
    %scan3A = arith.constant 0 : i32
    %scan3A_2 = arith.constant 0 : i32
    %scan3A_3 = arith.constant 128 : i32
    %scan3A_4 = arith.addi %scan3A_2, %scan3A_3 : i32
    %scan3A_5 = arith.constant 1 : i32
    %scan3A_6 = scf.for %scan3A_74 = %scan3A_2 to %scan3A_4 step %scan3A_5 iter_args(%scan3A_75 = %scan3A) -> (i32)  : i32 {
      %swap3A = arith.index_cast %scan3A_74 : i32 to index
      %swap3A_76 = arith.constant 0 : index
      %swap3A_77 = tpu.vector_load %arg8[%swap3A, %swap3A_76] {strides = array<i32>} : memref<128x128xf32, #tpu.memory_space<vmem>>, vector<1x16xf32>,
      %swap3A_78 = vector.shape_cast %swap3A_77 : vector<1x16xf32> to vector<16xf32>
      %swap3A_79 = vector.shape_cast %broadcast_in_dim3A_1 : vector<16xf32> to vector<1x16xf32>
      tpu.vector_store %arg8[%swap3A, %swap3A_76], %swap3A_79 {strides = array<i32>} : memref<128x128xf32, #tpu.memory_space<vmem>>, vector<1x16xf32>,
      %swap3A_80 = arith.index_cast %scan3A_74 : i32 to index
      %swap3A_81 = arith.constant 16 : index
      %swap3A_82 = tpu.vector_load %arg8[%swap3A_80, %swap3A_81] {strides = array<i32>} : memref<128x128xf32, #tpu.memory_space<vmem>>, vector<1x16xf32>,
      %swap3A_83 = vector.shape_cast %swap3A_82 : vector<1x16xf32> to vector<16xf32>
      %swap3A_84 = vector.shape_cast %broadcast_in_dim3A_1 : vector<16xf32> to vector<1x16xf32>
      tpu.vector_store %arg8[%swap3A_80, %swap3A_81], %swap3A_84 {strides = array<i32>} : memref<128x128xf32, #tpu.memory_space<vmem>>, vector<1x16xf32>,
      %swap3A_85 = arith.index_cast %scan3A_74 : i32 to index
      %swap3A_86 = arith.constant 32 : index
      %swap3A_87 = tpu.vector_load %arg8[%swap3A_85, %swap3A_86] {strides = array<i32>} : memref<128x128xf32, #tpu.memory_space<vmem>>, vector<1x16xf32>,
      %swap3A_88 = vector.shape_cast %swap3A_87 : vector<1x16xf32> to vector<16xf32>
      %swap3A_89 = vector.shape_cast %broadcast_in_dim3A_1 : vector<16xf32> to vector<1x16xf32>
      tpu.vector_store %arg8[%swap3A_85, %swap3A_86], %swap3A_89 {strides = array<i32>} : memref<128x128xf32, #tpu.memory_space<vmem>>, vector<1x16xf32>,
      %swap3A_90 = arith.index_cast %scan3A_74 : i32 to index
      %swap3A_91 = arith.constant 48 : index
      %swap3A_92 = tpu.vector_load %arg8[%swap3A_90, %swap3A_91] {strides = array<i32>} : memref<128x128xf32, #tpu.memory_space<vmem>>, vector<1x16xf32>,
      %swap3A_93 = vector.shape_cast %swap3A_92 : vector<1x16xf32> to vector<16xf32>
      %swap3A_94 = vector.shape_cast %broadcast_in_dim3A_1 : vector<16xf32> to vector<1x16xf32>
      tpu.vector_store %arg8[%swap3A_90, %swap3A_91], %swap3A_94 {strides = array<i32>} : memref<128x128xf32, #tpu.memory_space<vmem>>, vector<1x16xf32>,
      %swap3A_95 = arith.index_cast %scan3A_74 : i32 to index
      %swap3A_96 = arith.constant 64 : index
      %swap3A_97 = tpu.vector_load %arg8[%swap3A_95, %swap3A_96] {strides = array<i32>} : memref<128x128xf32, #tpu.memory_space<vmem>>, vector<1x16xf32>,
      %swap3A_98 = vector.shape_cast %swap3A_97 : vector<1x16xf32> to vector<16xf32>
      %swap3A_99 = vector.shape_cast %broadcast_in_dim3A_1 : vector<16xf32> to vector<1x16xf32>
      tpu.vector_store %arg8[%swap3A_95, %swap3A_96], %swap3A_99 {strides = array<i32>} : memref<128x128xf32, #tpu.memory_space<vmem>>, vector<1x16xf32>,
      %swap3A_100 = arith.index_cast %scan3A_74 : i32 to index
      %swap3A_101 = arith.constant 80 : index
      %swap3A_102 = tpu.vector_load %arg8[%swap3A_100, %swap3A_101] {strides = array<i32>} : memref<128x128xf32, #tpu.memory_space<vmem>>, vector<1x16xf32>,
      %swap3A_103 = vector.shape_cast %swap3A_102 : vector<1x16xf32> to vector<16xf32>
      %swap3A_104 = vector.shape_cast %broadcast_in_dim3A_1 : vector<16xf32> to vector<1x16xf32>
      tpu.vector_store %arg8[%swap3A_100, %swap3A_101], %swap3A_104 {strides = array<i32>} : memref<128x128xf32, #tpu.memory_space<vmem>>, vector<1x16xf32>,
      %swap3A_105 = arith.index_cast %scan3A_74 : i32 to index
      %swap3A_106 = arith.constant 96 : index
      %swap3A_107 = tpu.vector_load %arg8[%swap3A_105, %swap3A_106] {strides = array<i32>} : memref<128x128xf32, #tpu.memory_space<vmem>>, vector<1x16xf32>,
      %swap3A_108 = vector.shape_cast %swap3A_107 : vector<1x16xf32> to vector<16xf32>
      %swap3A_109 = vector.shape_cast %broadcast_in_dim3A_1 : vector<16xf32> to vector<1x16xf32>
      tpu.vector_store %arg8[%swap3A_105, %swap3A_106], %swap3A_109 {strides = array<i32>} : memref<128x128xf32, #tpu.memory_space<vmem>>, vector<1x16xf32>,
      %swap3A_110 = arith.index_cast %scan3A_74 : i32 to index
      %swap3A_111 = arith.constant 112 : index
      %swap3A_112 = tpu.vector_load %arg8[%swap3A_110, %swap3A_111] {strides = array<i32>} : memref<128x128xf32, #tpu.memory_space<vmem>>, vector<1x16xf32>,
      %swap3A_113 = vector.shape_cast %swap3A_112 : vector<1x16xf32> to vector<16xf32>
      %swap3A_114 = vector.shape_cast %broadcast_in_dim3A_1 : vector<16xf32> to vector<1x16xf32>
      tpu.vector_store %arg8[%swap3A_110, %swap3A_111], %swap3A_114 {strides = array<i32>} : memref<128x128xf32, #tpu.memory_space<vmem>>, vector<1x16xf32>,
      %scan3A_115 = arith.constant 0 : i32
      scf.yield %scan3A_115 : i32
    }
    %scan3A_7 = arith.constant 128 : i32
    %mul3A_8 = arith.constant 640 : i32
    %mul3A_9 = arith.muli %arg1, %mul3A_8 : i32
    %add3A_10 = arith.constant 0 : i32
    %add3A_11 = arith.addi %mul3A_9, %add3A_10 : i32
    "tpu.region"() ({
      %run_scoped3A = tpu.sem_alloc : memref<!tpu.dma_semaphore, #tpu.memory_space<semaphore_mem>>
      %dma_start3A_74 = arith.constant 0 : i32
      %dma_start3A_75 = tpu.memref_slice %arg10[%add3A_11, %dma_start3A_74] : memref<10240x128xf32, #tpu.memory_space<vmem_shared>> -> memref<128x128xf32, #tpu.memory_space<vmem_shared>>
      %dma_start3A_76 = arith.constant 0 : i32
      %dma_start3A_77 = tpu.memref_slice %arg10[%add3A_11, %dma_start3A_76] : memref<10240x128xf32, #tpu.memory_space<vmem_shared>> -> memref<128x128xf32, #tpu.memory_space<vmem_shared>>
      tpu.enqueue_dma source(%arg8 : memref<128x128xf32, #tpu.memory_space<vmem>>) target(%dma_start3A_77 : memref<128x128xf32, #tpu.memory_space<vmem_shared>>) target_semaphore(%run_scoped3A : memref<!tpu.dma_semaphore, #tpu.memory_space<semaphore_mem>>)
      %dma_wait3A = arith.constant 0 : i32
      %dma_wait3A_78 = tpu.memref_slice %arg10[%add3A_11, %dma_wait3A] : memref<10240x128xf32, #tpu.memory_space<vmem_shared>> -> memref<128x128xf32, #tpu.memory_space<vmem_shared>>
      %dma_wait3A_79 = arith.constant 0 : i32
      %dma_wait3A_80 = tpu.memref_slice %arg10[%add3A_11, %dma_wait3A_79] : memref<10240x128xf32, #tpu.memory_space<vmem_shared>> -> memref<128x128xf32, #tpu.memory_space<vmem_shared>>
      tpu.wait_dma2 semaphore(%run_scoped3A : memref<!tpu.dma_semaphore, #tpu.memory_space<semaphore_mem>>) src(%arg8 : memref<128x128xf32, #tpu.memory_space<vmem>>) dst(%dma_wait3A_80 : memref<128x128xf32, #tpu.memory_space<vmem_shared>>)
      tpu.yield
    }) : () -> ()
    %mul3A_12 = arith.constant 640 : i32
    %mul3A_13 = arith.muli %arg1, %mul3A_12 : i32
    %add3A_14 = arith.constant 128 : i32
    %add3A_15 = arith.addi %mul3A_13, %add3A_14 : i32
    "tpu.region"() ({
      %run_scoped3A = tpu.sem_alloc : memref<!tpu.dma_semaphore, #tpu.memory_space<semaphore_mem>>
      %dma_start3A_74 = arith.constant 0 : i32
      %dma_start3A_75 = tpu.memref_slice %arg10[%add3A_15, %dma_start3A_74] : memref<10240x128xf32, #tpu.memory_space<vmem_shared>> -> memref<128x128xf32, #tpu.memory_space<vmem_shared>>
      %dma_start3A_76 = arith.constant 0 : i32
      %dma_start3A_77 = tpu.memref_slice %arg10[%add3A_15, %dma_start3A_76] : memref<10240x128xf32, #tpu.memory_space<vmem_shared>> -> memref<128x128xf32, #tpu.memory_space<vmem_shared>>
      tpu.enqueue_dma source(%arg8 : memref<128x128xf32, #tpu.memory_space<vmem>>) target(%dma_start3A_77 : memref<128x128xf32, #tpu.memory_space<vmem_shared>>) target_semaphore(%run_scoped3A : memref<!tpu.dma_semaphore, #tpu.memory_space<semaphore_mem>>)
      %dma_wait3A = arith.constant 0 : i32
      %dma_wait3A_78 = tpu.memref_slice %arg10[%add3A_15, %dma_wait3A] : memref<10240x128xf32, #tpu.memory_space<vmem_shared>> -> memref<128x128xf32, #tpu.memory_space<vmem_shared>>
      %dma_wait3A_79 = arith.constant 0 : i32
      %dma_wait3A_80 = tpu.memref_slice %arg10[%add3A_15, %dma_wait3A_79] : memref<10240x128xf32, #tpu.memory_space<vmem_shared>> -> memref<128x128xf32, #tpu.memory_space<vmem_shared>>
      tpu.wait_dma2 semaphore(%run_scoped3A : memref<!tpu.dma_semaphore, #tpu.memory_space<semaphore_mem>>) src(%arg8 : memref<128x128xf32, #tpu.memory_space<vmem>>) dst(%dma_wait3A_80 : memref<128x128xf32, #tpu.memory_space<vmem_shared>>)
      tpu.yield
    }) : () -> ()
    %mul3A_16 = arith.constant 640 : i32
    %mul3A_17 = arith.muli %arg1, %mul3A_16 : i32
    %add3A_18 = arith.constant 256 : i32
    %add3A_19 = arith.addi %mul3A_17, %add3A_18 : i32
    "tpu.region"() ({
      %run_scoped3A = tpu.sem_alloc : memref<!tpu.dma_semaphore, #tpu.memory_space<semaphore_mem>>
      %dma_start3A_74 = arith.constant 0 : i32
      %dma_start3A_75 = tpu.memref_slice %arg10[%add3A_19, %dma_start3A_74] : memref<10240x128xf32, #tpu.memory_space<vmem_shared>> -> memref<128x128xf32, #tpu.memory_space<vmem_shared>>
      %dma_start3A_76 = arith.constant 0 : i32
      %dma_start3A_77 = tpu.memref_slice %arg10[%add3A_19, %dma_start3A_76] : memref<10240x128xf32, #tpu.memory_space<vmem_shared>> -> memref<128x128xf32, #tpu.memory_space<vmem_shared>>
      tpu.enqueue_dma source(%arg8 : memref<128x128xf32, #tpu.memory_space<vmem>>) target(%dma_start3A_77 : memref<128x128xf32, #tpu.memory_space<vmem_shared>>) target_semaphore(%run_scoped3A : memref<!tpu.dma_semaphore, #tpu.memory_space<semaphore_mem>>)
      %dma_wait3A = arith.constant 0 : i32
      %dma_wait3A_78 = tpu.memref_slice %arg10[%add3A_19, %dma_wait3A] : memref<10240x128xf32, #tpu.memory_space<vmem_shared>> -> memref<128x128xf32, #tpu.memory_space<vmem_shared>>
      %dma_wait3A_79 = arith.constant 0 : i32
      %dma_wait3A_80 = tpu.memref_slice %arg10[%add3A_19, %dma_wait3A_79] : memref<10240x128xf32, #tpu.memory_space<vmem_shared>> -> memref<128x128xf32, #tpu.memory_space<vmem_shared>>
      tpu.wait_dma2 semaphore(%run_scoped3A : memref<!tpu.dma_semaphore, #tpu.memory_space<semaphore_mem>>) src(%arg8 : memref<128x128xf32, #tpu.memory_space<vmem>>) dst(%dma_wait3A_80 : memref<128x128xf32, #tpu.memory_space<vmem_shared>>)
      tpu.yield
    }) : () -> ()
    %mul3A_20 = arith.constant 640 : i32
    %mul3A_21 = arith.muli %arg1, %mul3A_20 : i32
    %add3A_22 = arith.constant 384 : i32
    %add3A_23 = arith.addi %mul3A_21, %add3A_22 : i32
    "tpu.region"() ({
      %run_scoped3A = tpu.sem_alloc : memref<!tpu.dma_semaphore, #tpu.memory_space<semaphore_mem>>
      %dma_start3A_74 = arith.constant 0 : i32
      %dma_start3A_75 = tpu.memref_slice %arg10[%add3A_23, %dma_start3A_74] : memref<10240x128xf32, #tpu.memory_space<vmem_shared>> -> memref<128x128xf32, #tpu.memory_space<vmem_shared>>
      %dma_start3A_76 = arith.constant 0 : i32
      %dma_start3A_77 = tpu.memref_slice %arg10[%add3A_23, %dma_start3A_76] : memref<10240x128xf32, #tpu.memory_space<vmem_shared>> -> memref<128x128xf32, #tpu.memory_space<vmem_shared>>
      tpu.enqueue_dma source(%arg8 : memref<128x128xf32, #tpu.memory_space<vmem>>) target(%dma_start3A_77 : memref<128x128xf32, #tpu.memory_space<vmem_shared>>) target_semaphore(%run_scoped3A : memref<!tpu.dma_semaphore, #tpu.memory_space<semaphore_mem>>)
      %dma_wait3A = arith.constant 0 : i32
      %dma_wait3A_78 = tpu.memref_slice %arg10[%add3A_23, %dma_wait3A] : memref<10240x128xf32, #tpu.memory_space<vmem_shared>> -> memref<128x128xf32, #tpu.memory_space<vmem_shared>>
      %dma_wait3A_79 = arith.constant 0 : i32
      %dma_wait3A_80 = tpu.memref_slice %arg10[%add3A_23, %dma_wait3A_79] : memref<10240x128xf32, #tpu.memory_space<vmem_shared>> -> memref<128x128xf32, #tpu.memory_space<vmem_shared>>
      tpu.wait_dma2 semaphore(%run_scoped3A : memref<!tpu.dma_semaphore, #tpu.memory_space<semaphore_mem>>) src(%arg8 : memref<128x128xf32, #tpu.memory_space<vmem>>) dst(%dma_wait3A_80 : memref<128x128xf32, #tpu.memory_space<vmem_shared>>)
      tpu.yield
    }) : () -> ()
    %mul3A_24 = arith.constant 640 : i32
    %mul3A_25 = arith.muli %arg1, %mul3A_24 : i32
    %add3A_26 = arith.constant 512 : i32
    %add3A_27 = arith.addi %mul3A_25, %add3A_26 : i32
    "tpu.region"() ({
      %run_scoped3A = tpu.sem_alloc : memref<!tpu.dma_semaphore, #tpu.memory_space<semaphore_mem>>
      %dma_start3A_74 = arith.constant 0 : i32
      %dma_start3A_75 = tpu.memref_slice %arg10[%add3A_27, %dma_start3A_74] : memref<10240x128xf32, #tpu.memory_space<vmem_shared>> -> memref<128x128xf32, #tpu.memory_space<vmem_shared>>
      %dma_start3A_76 = arith.constant 0 : i32
      %dma_start3A_77 = tpu.memref_slice %arg10[%add3A_27, %dma_start3A_76] : memref<10240x128xf32, #tpu.memory_space<vmem_shared>> -> memref<128x128xf32, #tpu.memory_space<vmem_shared>>
      tpu.enqueue_dma source(%arg8 : memref<128x128xf32, #tpu.memory_space<vmem>>) target(%dma_start3A_77 : memref<128x128xf32, #tpu.memory_space<vmem_shared>>) target_semaphore(%run_scoped3A : memref<!tpu.dma_semaphore, #tpu.memory_space<semaphore_mem>>)
      %dma_wait3A = arith.constant 0 : i32
      %dma_wait3A_78 = tpu.memref_slice %arg10[%add3A_27, %dma_wait3A] : memref<10240x128xf32, #tpu.memory_space<vmem_shared>> -> memref<128x128xf32, #tpu.memory_space<vmem_shared>>
      %dma_wait3A_79 = arith.constant 0 : i32
      %dma_wait3A_80 = tpu.memref_slice %arg10[%add3A_27, %dma_wait3A_79] : memref<10240x128xf32, #tpu.memory_space<vmem_shared>> -> memref<128x128xf32, #tpu.memory_space<vmem_shared>>
      tpu.wait_dma2 semaphore(%run_scoped3A : memref<!tpu.dma_semaphore, #tpu.memory_space<semaphore_mem>>) src(%arg8 : memref<128x128xf32, #tpu.memory_space<vmem>>) dst(%dma_wait3A_80 : memref<128x128xf32, #tpu.memory_space<vmem_shared>>)
      tpu.yield
    }) : () -> ()
    %barrier3A = arith.constant 0 : index
    tpu.barrier barrier_id(%barrier3A)
    "tpu.region"() ({
      %run_scoped3A = tpu.sem_alloc : memref<!tpu.dma_semaphore, #tpu.memory_space<semaphore_mem>>
      %dma_start3A_74 = arith.constant 0 : i32
      %dma_start3A_75 = arith.constant 0 : i32
      %dma_start3A_76 = tpu.memref_slice %arg2[%add3A, %dma_start3A_74, %dma_start3A_75] : memref<32x80x128xi32, #tpu.memory_space<hbm>> -> memref<1x40x128xi32, #tpu.memory_space<hbm>>
      %dma_start3A_77 = tpu.memref_squeeze %dma_start3A_76 : memref<1x40x128xi32, #tpu.memory_space<hbm>> -> memref<40x128xi32, #tpu.memory_space<hbm>>
      %dma_start3A_78 = arith.constant 0 : i32
      %dma_start3A_79 = arith.constant 0 : i32
      %dma_start3A_80 = tpu.memref_slice %arg2[%add3A, %dma_start3A_78, %dma_start3A_79] : memref<32x80x128xi32, #tpu.memory_space<hbm>> -> memref<1x40x128xi32, #tpu.memory_space<hbm>>
      %dma_start3A_81 = tpu.memref_squeeze %dma_start3A_80 : memref<1x40x128xi32, #tpu.memory_space<hbm>> -> memref<40x128xi32, #tpu.memory_space<hbm>>
      tpu.enqueue_dma source(%dma_start3A_81 : memref<40x128xi32, #tpu.memory_space<hbm>>) target(%arg6 : memref<40x128xi32, #tpu.memory_space<vmem>>) target_semaphore(%run_scoped3A : memref<!tpu.dma_semaphore, #tpu.memory_space<semaphore_mem>>)
      %dma_wait3A = arith.constant 0 : i32
      %dma_wait3A_82 = arith.constant 0 : i32
      %dma_wait3A_83 = tpu.memref_slice %arg2[%add3A, %dma_wait3A, %dma_wait3A_82] : memref<32x80x128xi32, #tpu.memory_space<hbm>> -> memref<1x40x128xi32, #tpu.memory_space<hbm>>
      %dma_wait3A_84 = tpu.memref_squeeze %dma_wait3A_83 : memref<1x40x128xi32, #tpu.memory_space<hbm>> -> memref<40x128xi32, #tpu.memory_space<hbm>>
      %dma_wait3A_85 = arith.constant 0 : i32
      %dma_wait3A_86 = arith.constant 0 : i32
      %dma_wait3A_87 = tpu.memref_slice %arg2[%add3A, %dma_wait3A_85, %dma_wait3A_86] : memref<32x80x128xi32, #tpu.memory_space<hbm>> -> memref<1x40x128xi32, #tpu.memory_space<hbm>>
      %dma_wait3A_88 = tpu.memref_squeeze %dma_wait3A_87 : memref<1x40x128xi32, #tpu.memory_space<hbm>> -> memref<40x128xi32, #tpu.memory_space<hbm>>
      tpu.wait_dma2 semaphore(%run_scoped3A : memref<!tpu.dma_semaphore, #tpu.memory_space<semaphore_mem>>) src(%dma_wait3A_88 : memref<40x128xi32, #tpu.memory_space<hbm>>) dst(%arg6 : memref<40x128xi32, #tpu.memory_space<vmem>>)
      tpu.yield
    }) : () -> ()
    "tpu.region"() ({
      %run_scoped3A = tpu.sem_alloc : memref<!tpu.dma_semaphore, #tpu.memory_space<semaphore_mem>>
      %dma_start3A_74 = arith.constant 0 : i32
      %dma_start3A_75 = arith.constant 0 : i32
      %dma_start3A_76 = tpu.memref_slice %arg3[%add3A, %dma_start3A_74, %dma_start3A_75] : memref<32x80x128xi32, #tpu.memory_space<hbm>> -> memref<1x40x128xi32, #tpu.memory_space<hbm>>
      %dma_start3A_77 = tpu.memref_squeeze %dma_start3A_76 : memref<1x40x128xi32, #tpu.memory_space<hbm>> -> memref<40x128xi32, #tpu.memory_space<hbm>>
      %dma_start3A_78 = arith.constant 0 : i32
      %dma_start3A_79 = arith.constant 0 : i32
      %dma_start3A_80 = tpu.memref_slice %arg3[%add3A, %dma_start3A_78, %dma_start3A_79] : memref<32x80x128xi32, #tpu.memory_space<hbm>> -> memref<1x40x128xi32, #tpu.memory_space<hbm>>
      %dma_start3A_81 = tpu.memref_squeeze %dma_start3A_80 : memref<1x40x128xi32, #tpu.memory_space<hbm>> -> memref<40x128xi32, #tpu.memory_space<hbm>>
      tpu.enqueue_dma source(%dma_start3A_81 : memref<40x128xi32, #tpu.memory_space<hbm>>) target(%arg7 : memref<40x128xi32, #tpu.memory_space<vmem>>) target_semaphore(%run_scoped3A : memref<!tpu.dma_semaphore, #tpu.memory_space<semaphore_mem>>)
      %dma_wait3A = arith.constant 0 : i32
      %dma_wait3A_82 = arith.constant 0 : i32
      %dma_wait3A_83 = tpu.memref_slice %arg3[%add3A, %dma_wait3A, %dma_wait3A_82] : memref<32x80x128xi32, #tpu.memory_space<hbm>> -> memref<1x40x128xi32, #tpu.memory_space<hbm>>
      %dma_wait3A_84 = tpu.memref_squeeze %dma_wait3A_83 : memref<1x40x128xi32, #tpu.memory_space<hbm>> -> memref<40x128xi32, #tpu.memory_space<hbm>>
      %dma_wait3A_85 = arith.constant 0 : i32
      %dma_wait3A_86 = arith.constant 0 : i32
      %dma_wait3A_87 = tpu.memref_slice %arg3[%add3A, %dma_wait3A_85, %dma_wait3A_86] : memref<32x80x128xi32, #tpu.memory_space<hbm>> -> memref<1x40x128xi32, #tpu.memory_space<hbm>>
      %dma_wait3A_88 = tpu.memref_squeeze %dma_wait3A_87 : memref<1x40x128xi32, #tpu.memory_space<hbm>> -> memref<40x128xi32, #tpu.memory_space<hbm>>
      tpu.wait_dma2 semaphore(%run_scoped3A : memref<!tpu.dma_semaphore, #tpu.memory_space<semaphore_mem>>) src(%dma_wait3A_88 : memref<40x128xi32, #tpu.memory_space<hbm>>) dst(%arg7 : memref<40x128xi32, #tpu.memory_space<vmem>>)
      tpu.yield
    }) : () -> ()
    %dma_start3A = arith.constant 0 : i32
    %dma_start3A_28 = arith.constant 0 : i32
    %dma_start3A_29 = tpu.memref_slice %arg6[%dma_start3A, %dma_start3A_28] : memref<40x128xi32, #tpu.memory_space<vmem>> -> memref<1x128xi32, #tpu.memory_space<vmem>>
    %dma_start3A_30 = tpu.memref_squeeze %dma_start3A_29 : memref<1x128xi32, #tpu.memory_space<vmem>> -> memref<128xi32, #tpu.memory_space<vmem>>
    %dma_start3A_31 = arith.constant 0 : i32
    %dma_start3A_32 = arith.constant 0 : i32
    %dma_start3A_33 = tpu.memref_slice %arg4[%dma_start3A_31, %dma_start3A_32] : memref<10240x128xf32, #tpu.memory_space<hbm>> -> memref<10240x128xf32, #tpu.memory_space<hbm>>
    tpu.enqueue_indirect_dma source(%dma_start3A_33 : memref<10240x128xf32, #tpu.memory_space<hbm>>) target(%arg8 : memref<128x128xf32, #tpu.memory_space<vmem>>) offsets(%dma_start3A_30 : memref<128xi32, #tpu.memory_space<vmem>>) semaphore(%arg11 : memref<!tpu.dma_semaphore, #tpu.memory_space<semaphore_mem>>)
    %dma_start3A_34 = arith.constant 1 : i32
    %dma_start3A_35 = arith.constant 0 : i32
    %dma_start3A_36 = tpu.memref_slice %arg6[%dma_start3A_34, %dma_start3A_35] : memref<40x128xi32, #tpu.memory_space<vmem>> -> memref<1x128xi32, #tpu.memory_space<vmem>>
    %dma_start3A_37 = tpu.memref_squeeze %dma_start3A_36 : memref<1x128xi32, #tpu.memory_space<vmem>> -> memref<128xi32, #tpu.memory_space<vmem>>
    %dma_start3A_38 = arith.constant 0 : i32
    %dma_start3A_39 = arith.constant 0 : i32
    %dma_start3A_40 = tpu.memref_slice %arg4[%dma_start3A_38, %dma_start3A_39] : memref<10240x128xf32, #tpu.memory_space<hbm>> -> memref<10240x128xf32, #tpu.memory_space<hbm>>
    tpu.enqueue_indirect_dma source(%dma_start3A_40 : memref<10240x128xf32, #tpu.memory_space<hbm>>) target(%arg9 : memref<128x128xf32, #tpu.memory_space<vmem>>) offsets(%dma_start3A_37 : memref<128xi32, #tpu.memory_space<vmem>>) semaphore(%arg12 : memref<!tpu.dma_semaphore, #tpu.memory_space<semaphore_mem>>)
    %scan3A_41 = arith.constant 0 : i32
    %scan3A_42 = arith.constant 0 : i32
    %scan3A_43 = arith.constant 20 : i32
    %scan3A_44 = arith.addi %scan3A_42, %scan3A_43 : i32
    %scan3A_45 = arith.constant 1 : i32
    %scan3A_46 = scf.for %scan3A_74 = %scan3A_42 to %scan3A_44 step %scan3A_45 iter_args(%scan3A_75 = %scan3A_41) -> (i32)  : i32 {
      %mul3A_76 = arith.constant 2 : i32
      %mul3A_77 = arith.muli %mul3A_76, %scan3A_74 : i32
      %mul3A_78 = arith.constant 2 : i32
      %mul3A_79 = arith.muli %mul3A_78, %scan3A_74 : i32
      %add3A_80 = arith.constant 1 : i32
      %add3A_81 = arith.addi %mul3A_79, %add3A_80 : i32
      %dma_wait3A = arith.constant 0 : i32
      %dma_wait3A_82 = tpu.memref_slice %arg6[%mul3A_77, %dma_wait3A] : memref<40x128xi32, #tpu.memory_space<vmem>> -> memref<1x128xi32, #tpu.memory_space<vmem>>
      %dma_wait3A_83 = tpu.memref_squeeze %dma_wait3A_82 : memref<1x128xi32, #tpu.memory_space<vmem>> -> memref<128xi32, #tpu.memory_space<vmem>>
      %dma_wait3A_84 = arith.constant 0 : i32
      %dma_wait3A_85 = arith.constant 0 : i32
      %dma_wait3A_86 = tpu.memref_slice %arg4[%dma_wait3A_84, %dma_wait3A_85] : memref<10240x128xf32, #tpu.memory_space<hbm>> -> memref<10240x128xf32, #tpu.memory_space<hbm>>
      tpu.wait_indirect_dma semaphore(%arg11 : memref<!tpu.dma_semaphore, #tpu.memory_space<semaphore_mem>>) src(%dma_wait3A_86 : memref<10240x128xf32, #tpu.memory_space<hbm>>) dst(%arg8 : memref<128x128xf32, #tpu.memory_space<vmem>>)
      "tpu.region"() ({
        %run_scoped3A = tpu.sem_alloc : memref<!tpu.dma_semaphore, #tpu.memory_space<semaphore_mem>>
        %dma_start3A_105 = arith.constant 0 : i32
        %dma_start3A_106 = tpu.memref_slice %arg7[%mul3A_77, %dma_start3A_105] : memref<40x128xi32, #tpu.memory_space<vmem>> -> memref<1x128xi32, #tpu.memory_space<vmem>>
        %dma_start3A_107 = tpu.memref_squeeze %dma_start3A_106 : memref<1x128xi32, #tpu.memory_space<vmem>> -> memref<128xi32, #tpu.memory_space<vmem>>
        %dma_start3A_108 = arith.constant 0 : i32
        %dma_start3A_109 = arith.constant 0 : i32
        %dma_start3A_110 = tpu.memref_slice %arg10[%dma_start3A_108, %dma_start3A_109] : memref<10240x128xf32, #tpu.memory_space<vmem_shared>> -> memref<10240x128xf32, #tpu.memory_space<vmem_shared>>
        tpu.enqueue_indirect_dma source(%arg8 : memref<128x128xf32, #tpu.memory_space<vmem>>) target(%dma_start3A_110 : memref<10240x128xf32, #tpu.memory_space<vmem_shared>>) offsets(%dma_start3A_107 : memref<128xi32, #tpu.memory_space<vmem>>) semaphore(%run_scoped3A : memref<!tpu.dma_semaphore, #tpu.memory_space<semaphore_mem>>) {add = true}
        %dma_wait3A_111 = arith.constant 0 : i32
        %dma_wait3A_112 = tpu.memref_slice %arg7[%mul3A_77, %dma_wait3A_111] : memref<40x128xi32, #tpu.memory_space<vmem>> -> memref<1x128xi32, #tpu.memory_space<vmem>>
        %dma_wait3A_113 = tpu.memref_squeeze %dma_wait3A_112 : memref<1x128xi32, #tpu.memory_space<vmem>> -> memref<128xi32, #tpu.memory_space<vmem>>
        %dma_wait3A_114 = arith.constant 0 : i32
        %dma_wait3A_115 = arith.constant 0 : i32
        %dma_wait3A_116 = tpu.memref_slice %arg10[%dma_wait3A_114, %dma_wait3A_115] : memref<10240x128xf32, #tpu.memory_space<vmem_shared>> -> memref<10240x128xf32, #tpu.memory_space<vmem_shared>>
        tpu.wait_indirect_dma semaphore(%run_scoped3A : memref<!tpu.dma_semaphore, #tpu.memory_space<semaphore_mem>>) src(%arg8 : memref<128x128xf32, #tpu.memory_space<vmem>>) dst(%dma_wait3A_116 : memref<10240x128xf32, #tpu.memory_space<vmem_shared>>)
        tpu.yield
      }) : () -> ()
      %add3A_87 = arith.constant 2 : i32
      %add3A_88 = arith.addi %mul3A_77, %add3A_87 : i32
      %lt3A = arith.constant 40 : i32
      %lt3A_89 = arith.cmpi slt, %add3A_88, %lt3A : i32
      %convert_element_type3A = arith.extui %lt3A_89 : i1 to i32
      %cond3A = arith.constant 0 : i32
      %cond3A_90 = arith.cmpi ne, %convert_element_type3A, %cond3A : i32
      scf.if %cond3A_90 {
        %add3A_105 = arith.constant 2 : i32
        %add3A_106 = arith.addi %mul3A_77, %add3A_105 : i32
        %dma_start3A_107 = arith.constant 0 : i32
        %dma_start3A_108 = tpu.memref_slice %arg6[%add3A_106, %dma_start3A_107] : memref<40x128xi32, #tpu.memory_space<vmem>> -> memref<1x128xi32, #tpu.memory_space<vmem>>
        %dma_start3A_109 = tpu.memref_squeeze %dma_start3A_108 : memref<1x128xi32, #tpu.memory_space<vmem>> -> memref<128xi32, #tpu.memory_space<vmem>>
        %dma_start3A_110 = arith.constant 0 : i32
        %dma_start3A_111 = arith.constant 0 : i32
        %dma_start3A_112 = tpu.memref_slice %arg4[%dma_start3A_110, %dma_start3A_111] : memref<10240x128xf32, #tpu.memory_space<hbm>> -> memref<10240x128xf32, #tpu.memory_space<hbm>>
        tpu.enqueue_indirect_dma source(%dma_start3A_112 : memref<10240x128xf32, #tpu.memory_space<hbm>>) target(%arg8 : memref<128x128xf32, #tpu.memory_space<vmem>>) offsets(%dma_start3A_109 : memref<128xi32, #tpu.memory_space<vmem>>) semaphore(%arg11 : memref<!tpu.dma_semaphore, #tpu.memory_space<semaphore_mem>>)
      } else {
      }
      %dma_wait3A_91 = arith.constant 0 : i32
      %dma_wait3A_92 = tpu.memref_slice %arg6[%add3A_81, %dma_wait3A_91] : memref<40x128xi32, #tpu.memory_space<vmem>> -> memref<1x128xi32, #tpu.memory_space<vmem>>
      %dma_wait3A_93 = tpu.memref_squeeze %dma_wait3A_92 : memref<1x128xi32, #tpu.memory_space<vmem>> -> memref<128xi32, #tpu.memory_space<vmem>>
      %dma_wait3A_94 = arith.constant 0 : i32
      %dma_wait3A_95 = arith.constant 0 : i32
      %dma_wait3A_96 = tpu.memref_slice %arg4[%dma_wait3A_94, %dma_wait3A_95] : memref<10240x128xf32, #tpu.memory_space<hbm>> -> memref<10240x128xf32, #tpu.memory_space<hbm>>
      tpu.wait_indirect_dma semaphore(%arg12 : memref<!tpu.dma_semaphore, #tpu.memory_space<semaphore_mem>>) src(%dma_wait3A_96 : memref<10240x128xf32, #tpu.memory_space<hbm>>) dst(%arg9 : memref<128x128xf32, #tpu.memory_space<vmem>>)
      "tpu.region"() ({
        %run_scoped3A = tpu.sem_alloc : memref<!tpu.dma_semaphore, #tpu.memory_space<semaphore_mem>>
        %dma_start3A_105 = arith.constant 0 : i32
        %dma_start3A_106 = tpu.memref_slice %arg7[%add3A_81, %dma_start3A_105] : memref<40x128xi32, #tpu.memory_space<vmem>> -> memref<1x128xi32, #tpu.memory_space<vmem>>
        %dma_start3A_107 = tpu.memref_squeeze %dma_start3A_106 : memref<1x128xi32, #tpu.memory_space<vmem>> -> memref<128xi32, #tpu.memory_space<vmem>>
        %dma_start3A_108 = arith.constant 0 : i32
        %dma_start3A_109 = arith.constant 0 : i32
        %dma_start3A_110 = tpu.memref_slice %arg10[%dma_start3A_108, %dma_start3A_109] : memref<10240x128xf32, #tpu.memory_space<vmem_shared>> -> memref<10240x128xf32, #tpu.memory_space<vmem_shared>>
        tpu.enqueue_indirect_dma source(%arg9 : memref<128x128xf32, #tpu.memory_space<vmem>>) target(%dma_start3A_110 : memref<10240x128xf32, #tpu.memory_space<vmem_shared>>) offsets(%dma_start3A_107 : memref<128xi32, #tpu.memory_space<vmem>>) semaphore(%run_scoped3A : memref<!tpu.dma_semaphore, #tpu.memory_space<semaphore_mem>>) {add = true}
        %dma_wait3A_111 = arith.constant 0 : i32
        %dma_wait3A_112 = tpu.memref_slice %arg7[%add3A_81, %dma_wait3A_111] : memref<40x128xi32, #tpu.memory_space<vmem>> -> memref<1x128xi32, #tpu.memory_space<vmem>>
        %dma_wait3A_113 = tpu.memref_squeeze %dma_wait3A_112 : memref<1x128xi32, #tpu.memory_space<vmem>> -> memref<128xi32, #tpu.memory_space<vmem>>
        %dma_wait3A_114 = arith.constant 0 : i32
        %dma_wait3A_115 = arith.constant 0 : i32
        %dma_wait3A_116 = tpu.memref_slice %arg10[%dma_wait3A_114, %dma_wait3A_115] : memref<10240x128xf32, #tpu.memory_space<vmem_shared>> -> memref<10240x128xf32, #tpu.memory_space<vmem_shared>>
        tpu.wait_indirect_dma semaphore(%run_scoped3A : memref<!tpu.dma_semaphore, #tpu.memory_space<semaphore_mem>>) src(%arg9 : memref<128x128xf32, #tpu.memory_space<vmem>>) dst(%dma_wait3A_116 : memref<10240x128xf32, #tpu.memory_space<vmem_shared>>)
        tpu.yield
      }) : () -> ()
      %add3A_97 = arith.constant 2 : i32
      %add3A_98 = arith.addi %add3A_81, %add3A_97 : i32
      %lt3A_99 = arith.constant 40 : i32
      %lt3A_100 = arith.cmpi slt, %add3A_98, %lt3A_99 : i32
      %convert_element_type3A_101 = arith.extui %lt3A_100 : i1 to i32
      %cond3A_102 = arith.constant 0 : i32
      %cond3A_103 = arith.cmpi ne, %convert_element_type3A_101, %cond3A_102 : i32
      scf.if %cond3A_103 {
        %add3A_105 = arith.constant 2 : i32
        %add3A_106 = arith.addi %add3A_81, %add3A_105 : i32
        %dma_start3A_107 = arith.constant 0 : i32
        %dma_start3A_108 = tpu.memref_slice %arg6[%add3A_106, %dma_start3A_107] : memref<40x128xi32, #tpu.memory_space<vmem>> -> memref<1x128xi32, #tpu.memory_space<vmem>>
        %dma_start3A_109 = tpu.memref_squeeze %dma_start3A_108 : memref<1x128xi32, #tpu.memory_space<vmem>> -> memref<128xi32, #tpu.memory_space<vmem>>
        %dma_start3A_110 = arith.constant 0 : i32
        %dma_start3A_111 = arith.constant 0 : i32
        %dma_start3A_112 = tpu.memref_slice %arg4[%dma_start3A_110, %dma_start3A_111] : memref<10240x128xf32, #tpu.memory_space<hbm>> -> memref<10240x128xf32, #tpu.memory_space<hbm>>
        tpu.enqueue_indirect_dma source(%dma_start3A_112 : memref<10240x128xf32, #tpu.memory_space<hbm>>) target(%arg9 : memref<128x128xf32, #tpu.memory_space<vmem>>) offsets(%dma_start3A_109 : memref<128xi32, #tpu.memory_space<vmem>>) semaphore(%arg12 : memref<!tpu.dma_semaphore, #tpu.memory_space<semaphore_mem>>)
      } else {
      }
      %scan3A_104 = arith.constant 0 : i32
      scf.yield %scan3A_104 : i32
    }
    %scan3A_47 = arith.constant 20 : i32
    "tpu.region"() ({
      %run_scoped3A = tpu.sem_alloc : memref<!tpu.dma_semaphore, #tpu.memory_space<semaphore_mem>>
      %dma_start3A_74 = arith.constant 40 : i32
      %dma_start3A_75 = arith.constant 0 : i32
      %dma_start3A_76 = tpu.memref_slice %arg2[%add3A, %dma_start3A_74, %dma_start3A_75] : memref<32x80x128xi32, #tpu.memory_space<hbm>> -> memref<1x40x128xi32, #tpu.memory_space<hbm>>
      %dma_start3A_77 = tpu.memref_squeeze %dma_start3A_76 : memref<1x40x128xi32, #tpu.memory_space<hbm>> -> memref<40x128xi32, #tpu.memory_space<hbm>>
      %dma_start3A_78 = arith.constant 40 : i32
      %dma_start3A_79 = arith.constant 0 : i32
      %dma_start3A_80 = tpu.memref_slice %arg2[%add3A, %dma_start3A_78, %dma_start3A_79] : memref<32x80x128xi32, #tpu.memory_space<hbm>> -> memref<1x40x128xi32, #tpu.memory_space<hbm>>
      %dma_start3A_81 = tpu.memref_squeeze %dma_start3A_80 : memref<1x40x128xi32, #tpu.memory_space<hbm>> -> memref<40x128xi32, #tpu.memory_space<hbm>>
      tpu.enqueue_dma source(%dma_start3A_81 : memref<40x128xi32, #tpu.memory_space<hbm>>) target(%arg6 : memref<40x128xi32, #tpu.memory_space<vmem>>) target_semaphore(%run_scoped3A : memref<!tpu.dma_semaphore, #tpu.memory_space<semaphore_mem>>)
      %dma_wait3A = arith.constant 40 : i32
      %dma_wait3A_82 = arith.constant 0 : i32
      %dma_wait3A_83 = tpu.memref_slice %arg2[%add3A, %dma_wait3A, %dma_wait3A_82] : memref<32x80x128xi32, #tpu.memory_space<hbm>> -> memref<1x40x128xi32, #tpu.memory_space<hbm>>
      %dma_wait3A_84 = tpu.memref_squeeze %dma_wait3A_83 : memref<1x40x128xi32, #tpu.memory_space<hbm>> -> memref<40x128xi32, #tpu.memory_space<hbm>>
      %dma_wait3A_85 = arith.constant 40 : i32
      %dma_wait3A_86 = arith.constant 0 : i32
      %dma_wait3A_87 = tpu.memref_slice %arg2[%add3A, %dma_wait3A_85, %dma_wait3A_86] : memref<32x80x128xi32, #tpu.memory_space<hbm>> -> memref<1x40x128xi32, #tpu.memory_space<hbm>>
      %dma_wait3A_88 = tpu.memref_squeeze %dma_wait3A_87 : memref<1x40x128xi32, #tpu.memory_space<hbm>> -> memref<40x128xi32, #tpu.memory_space<hbm>>
      tpu.wait_dma2 semaphore(%run_scoped3A : memref<!tpu.dma_semaphore, #tpu.memory_space<semaphore_mem>>) src(%dma_wait3A_88 : memref<40x128xi32, #tpu.memory_space<hbm>>) dst(%arg6 : memref<40x128xi32, #tpu.memory_space<vmem>>)
      tpu.yield
    }) : () -> ()
    "tpu.region"() ({
      %run_scoped3A = tpu.sem_alloc : memref<!tpu.dma_semaphore, #tpu.memory_space<semaphore_mem>>
      %dma_start3A_74 = arith.constant 40 : i32
      %dma_start3A_75 = arith.constant 0 : i32
      %dma_start3A_76 = tpu.memref_slice %arg3[%add3A, %dma_start3A_74, %dma_start3A_75] : memref<32x80x128xi32, #tpu.memory_space<hbm>> -> memref<1x40x128xi32, #tpu.memory_space<hbm>>
      %dma_start3A_77 = tpu.memref_squeeze %dma_start3A_76 : memref<1x40x128xi32, #tpu.memory_space<hbm>> -> memref<40x128xi32, #tpu.memory_space<hbm>>
      %dma_start3A_78 = arith.constant 40 : i32
      %dma_start3A_79 = arith.constant 0 : i32
      %dma_start3A_80 = tpu.memref_slice %arg3[%add3A, %dma_start3A_78, %dma_start3A_79] : memref<32x80x128xi32, #tpu.memory_space<hbm>> -> memref<1x40x128xi32, #tpu.memory_space<hbm>>
      %dma_start3A_81 = tpu.memref_squeeze %dma_start3A_80 : memref<1x40x128xi32, #tpu.memory_space<hbm>> -> memref<40x128xi32, #tpu.memory_space<hbm>>
      tpu.enqueue_dma source(%dma_start3A_81 : memref<40x128xi32, #tpu.memory_space<hbm>>) target(%arg7 : memref<40x128xi32, #tpu.memory_space<vmem>>) target_semaphore(%run_scoped3A : memref<!tpu.dma_semaphore, #tpu.memory_space<semaphore_mem>>)
      %dma_wait3A = arith.constant 40 : i32
      %dma_wait3A_82 = arith.constant 0 : i32
      %dma_wait3A_83 = tpu.memref_slice %arg3[%add3A, %dma_wait3A, %dma_wait3A_82] : memref<32x80x128xi32, #tpu.memory_space<hbm>> -> memref<1x40x128xi32, #tpu.memory_space<hbm>>
      %dma_wait3A_84 = tpu.memref_squeeze %dma_wait3A_83 : memref<1x40x128xi32, #tpu.memory_space<hbm>> -> memref<40x128xi32, #tpu.memory_space<hbm>>
      %dma_wait3A_85 = arith.constant 40 : i32
      %dma_wait3A_86 = arith.constant 0 : i32
      %dma_wait3A_87 = tpu.memref_slice %arg3[%add3A, %dma_wait3A_85, %dma_wait3A_86] : memref<32x80x128xi32, #tpu.memory_space<hbm>> -> memref<1x40x128xi32, #tpu.memory_space<hbm>>
      %dma_wait3A_88 = tpu.memref_squeeze %dma_wait3A_87 : memref<1x40x128xi32, #tpu.memory_space<hbm>> -> memref<40x128xi32, #tpu.memory_space<hbm>>
      tpu.wait_dma2 semaphore(%run_scoped3A : memref<!tpu.dma_semaphore, #tpu.memory_space<semaphore_mem>>) src(%dma_wait3A_88 : memref<40x128xi32, #tpu.memory_space<hbm>>) dst(%arg7 : memref<40x128xi32, #tpu.memory_space<vmem>>)
      tpu.yield
    }) : () -> ()
    %dma_start3A_48 = arith.constant 0 : i32
    %dma_start3A_49 = arith.constant 0 : i32
    %dma_start3A_50 = tpu.memref_slice %arg6[%dma_start3A_48, %dma_start3A_49] : memref<40x128xi32, #tpu.memory_space<vmem>> -> memref<1x128xi32, #tpu.memory_space<vmem>>
    %dma_start3A_51 = tpu.memref_squeeze %dma_start3A_50 : memref<1x128xi32, #tpu.memory_space<vmem>> -> memref<128xi32, #tpu.memory_space<vmem>>
    %dma_start3A_52 = arith.constant 0 : i32
    %dma_start3A_53 = arith.constant 0 : i32
    %dma_start3A_54 = tpu.memref_slice %arg4[%dma_start3A_52, %dma_start3A_53] : memref<10240x128xf32, #tpu.memory_space<hbm>> -> memref<10240x128xf32, #tpu.memory_space<hbm>>
    tpu.enqueue_indirect_dma source(%dma_start3A_54 : memref<10240x128xf32, #tpu.memory_space<hbm>>) target(%arg8 : memref<128x128xf32, #tpu.memory_space<vmem>>) offsets(%dma_start3A_51 : memref<128xi32, #tpu.memory_space<vmem>>) semaphore(%arg11 : memref<!tpu.dma_semaphore, #tpu.memory_space<semaphore_mem>>)
    %dma_start3A_55 = arith.constant 1 : i32
    %dma_start3A_56 = arith.constant 0 : i32
    %dma_start3A_57 = tpu.memref_slice %arg6[%dma_start3A_55, %dma_start3A_56] : memref<40x128xi32, #tpu.memory_space<vmem>> -> memref<1x128xi32, #tpu.memory_space<vmem>>
    %dma_start3A_58 = tpu.memref_squeeze %dma_start3A_57 : memref<1x128xi32, #tpu.memory_space<vmem>> -> memref<128xi32, #tpu.memory_space<vmem>>
    %dma_start3A_59 = arith.constant 0 : i32
    %dma_start3A_60 = arith.constant 0 : i32
    %dma_start3A_61 = tpu.memref_slice %arg4[%dma_start3A_59, %dma_start3A_60] : memref<10240x128xf32, #tpu.memory_space<hbm>> -> memref<10240x128xf32, #tpu.memory_space<hbm>>
    tpu.enqueue_indirect_dma source(%dma_start3A_61 : memref<10240x128xf32, #tpu.memory_space<hbm>>) target(%arg9 : memref<128x128xf32, #tpu.memory_space<vmem>>) offsets(%dma_start3A_58 : memref<128xi32, #tpu.memory_space<vmem>>) semaphore(%arg12 : memref<!tpu.dma_semaphore, #tpu.memory_space<semaphore_mem>>)
    %scan3A_62 = arith.constant 0 : i32
    %scan3A_63 = arith.constant 0 : i32
    %scan3A_64 = arith.constant 20 : i32
    %scan3A_65 = arith.addi %scan3A_63, %scan3A_64 : i32
    %scan3A_66 = arith.constant 1 : i32
    %scan3A_67 = scf.for %scan3A_74 = %scan3A_63 to %scan3A_65 step %scan3A_66 iter_args(%scan3A_75 = %scan3A_62) -> (i32)  : i32 {
      %mul3A_76 = arith.constant 2 : i32
      %mul3A_77 = arith.muli %mul3A_76, %scan3A_74 : i32
      %mul3A_78 = arith.constant 2 : i32
      %mul3A_79 = arith.muli %mul3A_78, %scan3A_74 : i32
      %add3A_80 = arith.constant 1 : i32
      %add3A_81 = arith.addi %mul3A_79, %add3A_80 : i32
      %dma_wait3A = arith.constant 0 : i32
      %dma_wait3A_82 = tpu.memref_slice %arg6[%mul3A_77, %dma_wait3A] : memref<40x128xi32, #tpu.memory_space<vmem>> -> memref<1x128xi32, #tpu.memory_space<vmem>>
      %dma_wait3A_83 = tpu.memref_squeeze %dma_wait3A_82 : memref<1x128xi32, #tpu.memory_space<vmem>> -> memref<128xi32, #tpu.memory_space<vmem>>
      %dma_wait3A_84 = arith.constant 0 : i32
      %dma_wait3A_85 = arith.constant 0 : i32
      %dma_wait3A_86 = tpu.memref_slice %arg4[%dma_wait3A_84, %dma_wait3A_85] : memref<10240x128xf32, #tpu.memory_space<hbm>> -> memref<10240x128xf32, #tpu.memory_space<hbm>>
      tpu.wait_indirect_dma semaphore(%arg11 : memref<!tpu.dma_semaphore, #tpu.memory_space<semaphore_mem>>) src(%dma_wait3A_86 : memref<10240x128xf32, #tpu.memory_space<hbm>>) dst(%arg8 : memref<128x128xf32, #tpu.memory_space<vmem>>)
      "tpu.region"() ({
        %run_scoped3A = tpu.sem_alloc : memref<!tpu.dma_semaphore, #tpu.memory_space<semaphore_mem>>
        %dma_start3A_105 = arith.constant 0 : i32
        %dma_start3A_106 = tpu.memref_slice %arg7[%mul3A_77, %dma_start3A_105] : memref<40x128xi32, #tpu.memory_space<vmem>> -> memref<1x128xi32, #tpu.memory_space<vmem>>
        %dma_start3A_107 = tpu.memref_squeeze %dma_start3A_106 : memref<1x128xi32, #tpu.memory_space<vmem>> -> memref<128xi32, #tpu.memory_space<vmem>>
        %dma_start3A_108 = arith.constant 0 : i32
        %dma_start3A_109 = arith.constant 0 : i32
        %dma_start3A_110 = tpu.memref_slice %arg10[%dma_start3A_108, %dma_start3A_109] : memref<10240x128xf32, #tpu.memory_space<vmem_shared>> -> memref<10240x128xf32, #tpu.memory_space<vmem_shared>>
        tpu.enqueue_indirect_dma source(%arg8 : memref<128x128xf32, #tpu.memory_space<vmem>>) target(%dma_start3A_110 : memref<10240x128xf32, #tpu.memory_space<vmem_shared>>) offsets(%dma_start3A_107 : memref<128xi32, #tpu.memory_space<vmem>>) semaphore(%run_scoped3A : memref<!tpu.dma_semaphore, #tpu.memory_space<semaphore_mem>>) {add = true}
        %dma_wait3A_111 = arith.constant 0 : i32
        %dma_wait3A_112 = tpu.memref_slice %arg7[%mul3A_77, %dma_wait3A_111] : memref<40x128xi32, #tpu.memory_space<vmem>> -> memref<1x128xi32, #tpu.memory_space<vmem>>
        %dma_wait3A_113 = tpu.memref_squeeze %dma_wait3A_112 : memref<1x128xi32, #tpu.memory_space<vmem>> -> memref<128xi32, #tpu.memory_space<vmem>>
        %dma_wait3A_114 = arith.constant 0 : i32
        %dma_wait3A_115 = arith.constant 0 : i32
        %dma_wait3A_116 = tpu.memref_slice %arg10[%dma_wait3A_114, %dma_wait3A_115] : memref<10240x128xf32, #tpu.memory_space<vmem_shared>> -> memref<10240x128xf32, #tpu.memory_space<vmem_shared>>
        tpu.wait_indirect_dma semaphore(%run_scoped3A : memref<!tpu.dma_semaphore, #tpu.memory_space<semaphore_mem>>) src(%arg8 : memref<128x128xf32, #tpu.memory_space<vmem>>) dst(%dma_wait3A_116 : memref<10240x128xf32, #tpu.memory_space<vmem_shared>>)
        tpu.yield
      }) : () -> ()
      %add3A_87 = arith.constant 2 : i32
      %add3A_88 = arith.addi %mul3A_77, %add3A_87 : i32
      %lt3A = arith.constant 40 : i32
      %lt3A_89 = arith.cmpi slt, %add3A_88, %lt3A : i32
      %convert_element_type3A = arith.extui %lt3A_89 : i1 to i32
      %cond3A = arith.constant 0 : i32
      %cond3A_90 = arith.cmpi ne, %convert_element_type3A, %cond3A : i32
      scf.if %cond3A_90 {
        %add3A_105 = arith.constant 2 : i32
        %add3A_106 = arith.addi %mul3A_77, %add3A_105 : i32
        %dma_start3A_107 = arith.constant 0 : i32
        %dma_start3A_108 = tpu.memref_slice %arg6[%add3A_106, %dma_start3A_107] : memref<40x128xi32, #tpu.memory_space<vmem>> -> memref<1x128xi32, #tpu.memory_space<vmem>>
        %dma_start3A_109 = tpu.memref_squeeze %dma_start3A_108 : memref<1x128xi32, #tpu.memory_space<vmem>> -> memref<128xi32, #tpu.memory_space<vmem>>
        %dma_start3A_110 = arith.constant 0 : i32
        %dma_start3A_111 = arith.constant 0 : i32
        %dma_start3A_112 = tpu.memref_slice %arg4[%dma_start3A_110, %dma_start3A_111] : memref<10240x128xf32, #tpu.memory_space<hbm>> -> memref<10240x128xf32, #tpu.memory_space<hbm>>
        tpu.enqueue_indirect_dma source(%dma_start3A_112 : memref<10240x128xf32, #tpu.memory_space<hbm>>) target(%arg8 : memref<128x128xf32, #tpu.memory_space<vmem>>) offsets(%dma_start3A_109 : memref<128xi32, #tpu.memory_space<vmem>>) semaphore(%arg11 : memref<!tpu.dma_semaphore, #tpu.memory_space<semaphore_mem>>)
      } else {
      }
      %dma_wait3A_91 = arith.constant 0 : i32
      %dma_wait3A_92 = tpu.memref_slice %arg6[%add3A_81, %dma_wait3A_91] : memref<40x128xi32, #tpu.memory_space<vmem>> -> memref<1x128xi32, #tpu.memory_space<vmem>>
      %dma_wait3A_93 = tpu.memref_squeeze %dma_wait3A_92 : memref<1x128xi32, #tpu.memory_space<vmem>> -> memref<128xi32, #tpu.memory_space<vmem>>
      %dma_wait3A_94 = arith.constant 0 : i32
      %dma_wait3A_95 = arith.constant 0 : i32
      %dma_wait3A_96 = tpu.memref_slice %arg4[%dma_wait3A_94, %dma_wait3A_95] : memref<10240x128xf32, #tpu.memory_space<hbm>> -> memref<10240x128xf32, #tpu.memory_space<hbm>>
      tpu.wait_indirect_dma semaphore(%arg12 : memref<!tpu.dma_semaphore, #tpu.memory_space<semaphore_mem>>) src(%dma_wait3A_96 : memref<10240x128xf32, #tpu.memory_space<hbm>>) dst(%arg9 : memref<128x128xf32, #tpu.memory_space<vmem>>)
      "tpu.region"() ({
        %run_scoped3A = tpu.sem_alloc : memref<!tpu.dma_semaphore, #tpu.memory_space<semaphore_mem>>
        %dma_start3A_105 = arith.constant 0 : i32
        %dma_start3A_106 = tpu.memref_slice %arg7[%add3A_81, %dma_start3A_105] : memref<40x128xi32, #tpu.memory_space<vmem>> -> memref<1x128xi32, #tpu.memory_space<vmem>>
        %dma_start3A_107 = tpu.memref_squeeze %dma_start3A_106 : memref<1x128xi32, #tpu.memory_space<vmem>> -> memref<128xi32, #tpu.memory_space<vmem>>
        %dma_start3A_108 = arith.constant 0 : i32
        %dma_start3A_109 = arith.constant 0 : i32
        %dma_start3A_110 = tpu.memref_slice %arg10[%dma_start3A_108, %dma_start3A_109] : memref<10240x128xf32, #tpu.memory_space<vmem_shared>> -> memref<10240x128xf32, #tpu.memory_space<vmem_shared>>
        tpu.enqueue_indirect_dma source(%arg9 : memref<128x128xf32, #tpu.memory_space<vmem>>) target(%dma_start3A_110 : memref<10240x128xf32, #tpu.memory_space<vmem_shared>>) offsets(%dma_start3A_107 : memref<128xi32, #tpu.memory_space<vmem>>) semaphore(%run_scoped3A : memref<!tpu.dma_semaphore, #tpu.memory_space<semaphore_mem>>) {add = true}
        %dma_wait3A_111 = arith.constant 0 : i32
        %dma_wait3A_112 = tpu.memref_slice %arg7[%add3A_81, %dma_wait3A_111] : memref<40x128xi32, #tpu.memory_space<vmem>> -> memref<1x128xi32, #tpu.memory_space<vmem>>
        %dma_wait3A_113 = tpu.memref_squeeze %dma_wait3A_112 : memref<1x128xi32, #tpu.memory_space<vmem>> -> memref<128xi32, #tpu.memory_space<vmem>>
        %dma_wait3A_114 = arith.constant 0 : i32
        %dma_wait3A_115 = arith.constant 0 : i32
        %dma_wait3A_116 = tpu.memref_slice %arg10[%dma_wait3A_114, %dma_wait3A_115] : memref<10240x128xf32, #tpu.memory_space<vmem_shared>> -> memref<10240x128xf32, #tpu.memory_space<vmem_shared>>
        tpu.wait_indirect_dma semaphore(%run_scoped3A : memref<!tpu.dma_semaphore, #tpu.memory_space<semaphore_mem>>) src(%arg9 : memref<128x128xf32, #tpu.memory_space<vmem>>) dst(%dma_wait3A_116 : memref<10240x128xf32, #tpu.memory_space<vmem_shared>>)
        tpu.yield
      }) : () -> ()
      %add3A_97 = arith.constant 2 : i32
      %add3A_98 = arith.addi %add3A_81, %add3A_97 : i32
      %lt3A_99 = arith.constant 40 : i32
      %lt3A_100 = arith.cmpi slt, %add3A_98, %lt3A_99 : i32
      %convert_element_type3A_101 = arith.extui %lt3A_100 : i1 to i32
      %cond3A_102 = arith.constant 0 : i32
      %cond3A_103 = arith.cmpi ne, %convert_element_type3A_101, %cond3A_102 : i32
      scf.if %cond3A_103 {
        %add3A_105 = arith.constant 2 : i32
        %add3A_106 = arith.addi %add3A_81, %add3A_105 : i32
        %dma_start3A_107 = arith.constant 0 : i32
        %dma_start3A_108 = tpu.memref_slice %arg6[%add3A_106, %dma_start3A_107] : memref<40x128xi32, #tpu.memory_space<vmem>> -> memref<1x128xi32, #tpu.memory_space<vmem>>
        %dma_start3A_109 = tpu.memref_squeeze %dma_start3A_108 : memref<1x128xi32, #tpu.memory_space<vmem>> -> memref<128xi32, #tpu.memory_space<vmem>>
        %dma_start3A_110 = arith.constant 0 : i32
        %dma_start3A_111 = arith.constant 0 : i32
        %dma_start3A_112 = tpu.memref_slice %arg4[%dma_start3A_110, %dma_start3A_111] : memref<10240x128xf32, #tpu.memory_space<hbm>> -> memref<10240x128xf32, #tpu.memory_space<hbm>>
        tpu.enqueue_indirect_dma source(%dma_start3A_112 : memref<10240x128xf32, #tpu.memory_space<hbm>>) target(%arg9 : memref<128x128xf32, #tpu.memory_space<vmem>>) offsets(%dma_start3A_109 : memref<128xi32, #tpu.memory_space<vmem>>) semaphore(%arg12 : memref<!tpu.dma_semaphore, #tpu.memory_space<semaphore_mem>>)
      } else {
      }
      %scan3A_104 = arith.constant 0 : i32
      scf.yield %scan3A_104 : i32
    }
    %scan3A_68 = arith.constant 20 : i32
    %barrier3A_69 = arith.constant 0 : index
    tpu.barrier barrier_id(%barrier3A_69)
    %mul3A_70 = arith.constant 640 : i32
    %mul3A_71 = arith.muli %arg1, %mul3A_70 : i32
    %mul3A_72 = arith.constant 640 : i32
    %mul3A_73 = arith.muli %arg1, %mul3A_72 : i32
    "tpu.region"() ({
      %run_scoped3A = tpu.sem_alloc : memref<!tpu.dma_semaphore, #tpu.memory_space<semaphore_mem>>
      %dma_start3A_74 = arith.constant 0 : i32
      %dma_start3A_75 = tpu.memref_slice %arg5[%arg0, %mul3A_73, %dma_start3A_74] : memref<2x10240x128xf32, #tpu.memory_space<hbm>> -> memref<1x640x128xf32, #tpu.memory_space<hbm>>
      %dma_start3A_76 = tpu.memref_squeeze %dma_start3A_75 : memref<1x640x128xf32, #tpu.memory_space<hbm>> -> memref<640x128xf32, #tpu.memory_space<hbm>>
      %dma_start3A_77 = arith.constant 0 : i32
      %dma_start3A_78 = tpu.memref_slice %arg10[%mul3A_71, %dma_start3A_77] : memref<10240x128xf32, #tpu.memory_space<vmem_shared>> -> memref<640x128xf32, #tpu.memory_space<vmem_shared>>
      tpu.enqueue_dma source(%dma_start3A_78 : memref<640x128xf32, #tpu.memory_space<vmem_shared>>) target(%dma_start3A_76 : memref<640x128xf32, #tpu.memory_space<hbm>>) target_semaphore(%run_scoped3A : memref<!tpu.dma_semaphore, #tpu.memory_space<semaphore_mem>>)
      %dma_wait3A = arith.constant 0 : i32
      %dma_wait3A_79 = tpu.memref_slice %arg5[%arg0, %mul3A_73, %dma_wait3A] : memref<2x10240x128xf32, #tpu.memory_space<hbm>> -> memref<1x640x128xf32, #tpu.memory_space<hbm>>
      %dma_wait3A_80 = tpu.memref_squeeze %dma_wait3A_79 : memref<1x640x128xf32, #tpu.memory_space<hbm>> -> memref<640x128xf32, #tpu.memory_space<hbm>>
      %dma_wait3A_81 = arith.constant 0 : i32
      %dma_wait3A_82 = tpu.memref_slice %arg10[%mul3A_71, %dma_wait3A_81] : memref<10240x128xf32, #tpu.memory_space<vmem_shared>> -> memref<640x128xf32, #tpu.memory_space<vmem_shared>>
      tpu.wait_dma2 semaphore(%run_scoped3A : memref<!tpu.dma_semaphore, #tpu.memory_space<semaphore_mem>>) src(%dma_wait3A_82 : memref<640x128xf32, #tpu.memory_space<vmem_shared>>) dst(%dma_wait3A_80 : memref<640x128xf32, #tpu.memory_space<hbm>>)
      tpu.yield
    }) : () -> ()
    return
  }
}

#map = affine_map<(d0, d1) -> (0, 0, 0)>
#map1 = affine_map<(d0, d1) -> (0, 0)>
module attributes {stable_mosaic.version = 14 : i64} {
  func.func @_deg_body(%arg0: i32, %arg1: i32, %arg2: memref<32x80x128xi32, #tpu.memory_space<hbm>>, %arg3: memref<128x128xf32, #tpu.memory_space<hbm>>, %arg4: memref<640x128xf32, #tpu.memory_space<hbm>>, %arg5: memref<2x10240x128xf32, #tpu.memory_space<hbm>>, %arg6: memref<80x128xi32, #tpu.memory_space<vmem>>, %arg7: memref<128x128xf32, #tpu.memory_space<vmem>>, %arg8: memref<10240x128xf32, #tpu.memory_space<vmem_shared>>) attributes {dimension_semantics = [#tpu.dimension_semantics<core_parallel>, #tpu.dimension_semantics<subcore_parallel>], iteration_bounds = array<i64: 2, 16>, scalar_prefetch = 0 : i64, scratch_operands = 3 : i64, tpu.core_type = #tpu.core_type<sc_vector_subcore>, window_params = [{transform_indices = #map}, {transform_indices = #map1}, {transform_indices = #map1}, {transform_indices = #map}]} {
    %mul3A = arith.constant 16 : i32
    %mul3A_0 = arith.muli %arg0, %mul3A : i32
    %add3A = arith.addi %mul3A_0, %arg1 : i32
    %mul3A_1 = arith.constant 640 : i32
    %mul3A_2 = arith.muli %arg1, %mul3A_1 : i32
    "tpu.region"() ({
      %run_scoped3A = tpu.sem_alloc : memref<!tpu.dma_semaphore, #tpu.memory_space<semaphore_mem>>
      %dma_start3A = arith.constant 0 : i32
      %dma_start3A_14 = tpu.memref_slice %arg8[%mul3A_2, %dma_start3A] : memref<10240x128xf32, #tpu.memory_space<vmem_shared>> -> memref<640x128xf32, #tpu.memory_space<vmem_shared>>
      tpu.enqueue_dma source(%arg4 : memref<640x128xf32, #tpu.memory_space<hbm>>) target(%dma_start3A_14 : memref<640x128xf32, #tpu.memory_space<vmem_shared>>) target_semaphore(%run_scoped3A : memref<!tpu.dma_semaphore, #tpu.memory_space<semaphore_mem>>)
      %dma_wait3A = arith.constant 0 : i32
      %dma_wait3A_15 = tpu.memref_slice %arg8[%mul3A_2, %dma_wait3A] : memref<10240x128xf32, #tpu.memory_space<vmem_shared>> -> memref<640x128xf32, #tpu.memory_space<vmem_shared>>
      tpu.wait_dma2 semaphore(%run_scoped3A : memref<!tpu.dma_semaphore, #tpu.memory_space<semaphore_mem>>) src(%arg4 : memref<640x128xf32, #tpu.memory_space<hbm>>) dst(%dma_wait3A_15 : memref<640x128xf32, #tpu.memory_space<vmem_shared>>)
      tpu.yield
    }) : () -> ()
    "tpu.region"() ({
      %run_scoped3A = tpu.sem_alloc : memref<!tpu.dma_semaphore, #tpu.memory_space<semaphore_mem>>
      %dma_start3A = arith.constant 0 : i32
      %dma_start3A_14 = arith.constant 0 : i32
      %dma_start3A_15 = tpu.memref_slice %arg2[%add3A, %dma_start3A, %dma_start3A_14] : memref<32x80x128xi32, #tpu.memory_space<hbm>> -> memref<1x80x128xi32, #tpu.memory_space<hbm>>
      %dma_start3A_16 = tpu.memref_squeeze %dma_start3A_15 : memref<1x80x128xi32, #tpu.memory_space<hbm>> -> memref<80x128xi32, #tpu.memory_space<hbm>>
      %dma_start3A_17 = arith.constant 0 : i32
      %dma_start3A_18 = arith.constant 0 : i32
      %dma_start3A_19 = tpu.memref_slice %arg2[%add3A, %dma_start3A_17, %dma_start3A_18] : memref<32x80x128xi32, #tpu.memory_space<hbm>> -> memref<1x80x128xi32, #tpu.memory_space<hbm>>
      %dma_start3A_20 = tpu.memref_squeeze %dma_start3A_19 : memref<1x80x128xi32, #tpu.memory_space<hbm>> -> memref<80x128xi32, #tpu.memory_space<hbm>>
      tpu.enqueue_dma source(%dma_start3A_20 : memref<80x128xi32, #tpu.memory_space<hbm>>) target(%arg6 : memref<80x128xi32, #tpu.memory_space<vmem>>) target_semaphore(%run_scoped3A : memref<!tpu.dma_semaphore, #tpu.memory_space<semaphore_mem>>)
      %dma_wait3A = arith.constant 0 : i32
      %dma_wait3A_21 = arith.constant 0 : i32
      %dma_wait3A_22 = tpu.memref_slice %arg2[%add3A, %dma_wait3A, %dma_wait3A_21] : memref<32x80x128xi32, #tpu.memory_space<hbm>> -> memref<1x80x128xi32, #tpu.memory_space<hbm>>
      %dma_wait3A_23 = tpu.memref_squeeze %dma_wait3A_22 : memref<1x80x128xi32, #tpu.memory_space<hbm>> -> memref<80x128xi32, #tpu.memory_space<hbm>>
      %dma_wait3A_24 = arith.constant 0 : i32
      %dma_wait3A_25 = arith.constant 0 : i32
      %dma_wait3A_26 = tpu.memref_slice %arg2[%add3A, %dma_wait3A_24, %dma_wait3A_25] : memref<32x80x128xi32, #tpu.memory_space<hbm>> -> memref<1x80x128xi32, #tpu.memory_space<hbm>>
      %dma_wait3A_27 = tpu.memref_squeeze %dma_wait3A_26 : memref<1x80x128xi32, #tpu.memory_space<hbm>> -> memref<80x128xi32, #tpu.memory_space<hbm>>
      tpu.wait_dma2 semaphore(%run_scoped3A : memref<!tpu.dma_semaphore, #tpu.memory_space<semaphore_mem>>) src(%dma_wait3A_27 : memref<80x128xi32, #tpu.memory_space<hbm>>) dst(%arg6 : memref<80x128xi32, #tpu.memory_space<vmem>>)
      tpu.yield
    }) : () -> ()
    "tpu.region"() ({
      %run_scoped3A = tpu.sem_alloc : memref<!tpu.dma_semaphore, #tpu.memory_space<semaphore_mem>>
      tpu.enqueue_dma source(%arg3 : memref<128x128xf32, #tpu.memory_space<hbm>>) target(%arg7 : memref<128x128xf32, #tpu.memory_space<vmem>>) target_semaphore(%run_scoped3A : memref<!tpu.dma_semaphore, #tpu.memory_space<semaphore_mem>>)
      tpu.wait_dma2 semaphore(%run_scoped3A : memref<!tpu.dma_semaphore, #tpu.memory_space<semaphore_mem>>) src(%arg3 : memref<128x128xf32, #tpu.memory_space<hbm>>) dst(%arg7 : memref<128x128xf32, #tpu.memory_space<vmem>>)
      tpu.yield
    }) : () -> ()
    %barrier3A = arith.constant 0 : index
    tpu.barrier barrier_id(%barrier3A)
    %scan3A = arith.constant 0 : i32
    %scan3A_3 = arith.constant 0 : i32
    %scan3A_4 = arith.constant 80 : i32
    %scan3A_5 = arith.addi %scan3A_3, %scan3A_4 : i32
    %scan3A_6 = arith.constant 1 : i32
    %scan3A_7 = scf.for %scan3A_14 = %scan3A_3 to %scan3A_5 step %scan3A_6 iter_args(%scan3A_15 = %scan3A) -> (i32)  : i32 {
      "tpu.region"() ({
        %run_scoped3A = tpu.sem_alloc : memref<!tpu.dma_semaphore, #tpu.memory_space<semaphore_mem>>
        %dma_start3A = arith.constant 0 : i32
        %dma_start3A_17 = tpu.memref_slice %arg6[%scan3A_14, %dma_start3A] : memref<80x128xi32, #tpu.memory_space<vmem>> -> memref<1x128xi32, #tpu.memory_space<vmem>>
        %dma_start3A_18 = tpu.memref_squeeze %dma_start3A_17 : memref<1x128xi32, #tpu.memory_space<vmem>> -> memref<128xi32, #tpu.memory_space<vmem>>
        %dma_start3A_19 = arith.constant 0 : i32
        %dma_start3A_20 = arith.constant 0 : i32
        %dma_start3A_21 = tpu.memref_slice %arg8[%dma_start3A_19, %dma_start3A_20] : memref<10240x128xf32, #tpu.memory_space<vmem_shared>> -> memref<10240x128xf32, #tpu.memory_space<vmem_shared>>
        tpu.enqueue_indirect_dma source(%arg7 : memref<128x128xf32, #tpu.memory_space<vmem>>) target(%dma_start3A_21 : memref<10240x128xf32, #tpu.memory_space<vmem_shared>>) offsets(%dma_start3A_18 : memref<128xi32, #tpu.memory_space<vmem>>) semaphore(%run_scoped3A : memref<!tpu.dma_semaphore, #tpu.memory_space<semaphore_mem>>) {add = true}
        %dma_wait3A = arith.constant 0 : i32
        %dma_wait3A_22 = tpu.memref_slice %arg6[%scan3A_14, %dma_wait3A] : memref<80x128xi32, #tpu.memory_space<vmem>> -> memref<1x128xi32, #tpu.memory_space<vmem>>
        %dma_wait3A_23 = tpu.memref_squeeze %dma_wait3A_22 : memref<1x128xi32, #tpu.memory_space<vmem>> -> memref<128xi32, #tpu.memory_space<vmem>>
        %dma_wait3A_24 = arith.constant 0 : i32
        %dma_wait3A_25 = arith.constant 0 : i32
        %dma_wait3A_26 = tpu.memref_slice %arg8[%dma_wait3A_24, %dma_wait3A_25] : memref<10240x128xf32, #tpu.memory_space<vmem_shared>> -> memref<10240x128xf32, #tpu.memory_space<vmem_shared>>
        tpu.wait_indirect_dma semaphore(%run_scoped3A : memref<!tpu.dma_semaphore, #tpu.memory_space<semaphore_mem>>) src(%arg7 : memref<128x128xf32, #tpu.memory_space<vmem>>) dst(%dma_wait3A_26 : memref<10240x128xf32, #tpu.memory_space<vmem_shared>>)
        tpu.yield
      }) : () -> ()
      %scan3A_16 = arith.constant 0 : i32
      scf.yield %scan3A_16 : i32
    }
    %scan3A_8 = arith.constant 80 : i32
    %barrier3A_9 = arith.constant 0 : index
    tpu.barrier barrier_id(%barrier3A_9)
    %mul3A_10 = arith.constant 640 : i32
    %mul3A_11 = arith.muli %arg1, %mul3A_10 : i32
    %mul3A_12 = arith.constant 640 : i32
    %mul3A_13 = arith.muli %arg1, %mul3A_12 : i32
    "tpu.region"() ({
      %run_scoped3A = tpu.sem_alloc : memref<!tpu.dma_semaphore, #tpu.memory_space<semaphore_mem>>
      %dma_start3A = arith.constant 0 : i32
      %dma_start3A_14 = tpu.memref_slice %arg5[%arg0, %mul3A_13, %dma_start3A] : memref<2x10240x128xf32, #tpu.memory_space<hbm>> -> memref<1x640x128xf32, #tpu.memory_space<hbm>>
      %dma_start3A_15 = tpu.memref_squeeze %dma_start3A_14 : memref<1x640x128xf32, #tpu.memory_space<hbm>> -> memref<640x128xf32, #tpu.memory_space<hbm>>
      %dma_start3A_16 = arith.constant 0 : i32
      %dma_start3A_17 = tpu.memref_slice %arg8[%mul3A_11, %dma_start3A_16] : memref<10240x128xf32, #tpu.memory_space<vmem_shared>> -> memref<640x128xf32, #tpu.memory_space<vmem_shared>>
      tpu.enqueue_dma source(%dma_start3A_17 : memref<640x128xf32, #tpu.memory_space<vmem_shared>>) target(%dma_start3A_15 : memref<640x128xf32, #tpu.memory_space<hbm>>) target_semaphore(%run_scoped3A : memref<!tpu.dma_semaphore, #tpu.memory_space<semaphore_mem>>)
      %dma_wait3A = arith.constant 0 : i32
      %dma_wait3A_18 = tpu.memref_slice %arg5[%arg0, %mul3A_13, %dma_wait3A] : memref<2x10240x128xf32, #tpu.memory_space<hbm>> -> memref<1x640x128xf32, #tpu.memory_space<hbm>>
      %dma_wait3A_19 = tpu.memref_squeeze %dma_wait3A_18 : memref<1x640x128xf32, #tpu.memory_space<hbm>> -> memref<640x128xf32, #tpu.memory_space<hbm>>
      %dma_wait3A_20 = arith.constant 0 : i32
      %dma_wait3A_21 = tpu.memref_slice %arg8[%mul3A_11, %dma_wait3A_20] : memref<10240x128xf32, #tpu.memory_space<vmem_shared>> -> memref<640x128xf32, #tpu.memory_space<vmem_shared>>
      tpu.wait_dma2 semaphore(%run_scoped3A : memref<!tpu.dma_semaphore, #tpu.memory_space<semaphore_mem>>) src(%dma_wait3A_21 : memref<640x128xf32, #tpu.memory_space<vmem_shared>>) dst(%dma_wait3A_19 : memref<640x128xf32, #tpu.memory_space<hbm>>)
      tpu.yield
    }) : () -> ()
    return
  }
}

#map = affine_map<(d0, d1) -> (0, 0, 0)>
#map1 = affine_map<(d0, d1) -> (0, 0)>
module attributes {stable_mosaic.version = 14 : i64} {
  func.func @_scat_body(%arg0: i32, %arg1: i32, %arg2: memref<32x80x128xi32, #tpu.memory_space<hbm>>, %arg3: memref<32x80x128xi32, #tpu.memory_space<hbm>>, %arg4: memref<10240x128xf32, #tpu.memory_space<hbm>>, %arg5: memref<2x10240x128xf32, #tpu.memory_space<hbm>>, %arg6: memref<40x128xi32, #tpu.memory_space<vmem>>, %arg7: memref<40x128xi32, #tpu.memory_space<vmem>>, %arg8: memref<128x128xf32, #tpu.memory_space<vmem>>, %arg9: memref<128x128xf32, #tpu.memory_space<vmem>>, %arg10: memref<10240x128xf32, #tpu.memory_space<vmem_shared>>, %arg11: memref<!tpu.dma_semaphore, #tpu.memory_space<semaphore_mem>>, %arg12: memref<!tpu.dma_semaphore, #tpu.memory_space<semaphore_mem>>) attributes {dimension_semantics = [#tpu.dimension_semantics<core_parallel>, #tpu.dimension_semantics<subcore_parallel>], iteration_bounds = array<i64: 2, 16>, scalar_prefetch = 0 : i64, scratch_operands = 7 : i64, tpu.core_type = #tpu.core_type<sc_vector_subcore>, window_params = [{transform_indices = #map}, {transform_indices = #map}, {transform_indices = #map1}, {transform_indices = #map}]} {
    %mul3A = arith.constant 16 : i32
    %mul3A_0 = arith.muli %arg0, %mul3A : i32
    %add3A = arith.addi %mul3A_0, %arg1 : i32
    %broadcast_in_dim3A = arith.constant 0.000000e+00 : f32
    %broadcast_in_dim3A_1 = vector.broadcast %broadcast_in_dim3A : f32 to vector<16xf32>
    %scan3A = arith.constant 0 : i32
    %scan3A_2 = arith.constant 0 : i32
    %scan3A_3 = arith.constant 128 : i32
    %scan3A_4 = arith.addi %scan3A_2, %scan3A_3 : i32
    %scan3A_5 = arith.constant 1 : i32
    %scan3A_6 = scf.for %scan3A_74 = %scan3A_2 to %scan3A_4 step %scan3A_5 iter_args(%scan3A_75 = %scan3A) -> (i32)  : i32 {
      %swap3A = arith.index_cast %scan3A_74 : i32 to index
      %swap3A_76 = arith.constant 0 : index
      %swap3A_77 = tpu.vector_load %arg8[%swap3A, %swap3A_76] {strides = array<i32>} : memref<128x128xf32, #tpu.memory_space<vmem>>, vector<1x16xf32>,
      %swap3A_78 = vector.shape_cast %swap3A_77 : vector<1x16xf32> to vector<16xf32>
      %swap3A_79 = vector.shape_cast %broadcast_in_dim3A_1 : vector<16xf32> to vector<1x16xf32>
      tpu.vector_store %arg8[%swap3A, %swap3A_76], %swap3A_79 {strides = array<i32>} : memref<128x128xf32, #tpu.memory_space<vmem>>, vector<1x16xf32>,
      %swap3A_80 = arith.index_cast %scan3A_74 : i32 to index
      %swap3A_81 = arith.constant 16 : index
      %swap3A_82 = tpu.vector_load %arg8[%swap3A_80, %swap3A_81] {strides = array<i32>} : memref<128x128xf32, #tpu.memory_space<vmem>>, vector<1x16xf32>,
      %swap3A_83 = vector.shape_cast %swap3A_82 : vector<1x16xf32> to vector<16xf32>
      %swap3A_84 = vector.shape_cast %broadcast_in_dim3A_1 : vector<16xf32> to vector<1x16xf32>
      tpu.vector_store %arg8[%swap3A_80, %swap3A_81], %swap3A_84 {strides = array<i32>} : memref<128x128xf32, #tpu.memory_space<vmem>>, vector<1x16xf32>,
      %swap3A_85 = arith.index_cast %scan3A_74 : i32 to index
      %swap3A_86 = arith.constant 32 : index
      %swap3A_87 = tpu.vector_load %arg8[%swap3A_85, %swap3A_86] {strides = array<i32>} : memref<128x128xf32, #tpu.memory_space<vmem>>, vector<1x16xf32>,
      %swap3A_88 = vector.shape_cast %swap3A_87 : vector<1x16xf32> to vector<16xf32>
      %swap3A_89 = vector.shape_cast %broadcast_in_dim3A_1 : vector<16xf32> to vector<1x16xf32>
      tpu.vector_store %arg8[%swap3A_85, %swap3A_86], %swap3A_89 {strides = array<i32>} : memref<128x128xf32, #tpu.memory_space<vmem>>, vector<1x16xf32>,
      %swap3A_90 = arith.index_cast %scan3A_74 : i32 to index
      %swap3A_91 = arith.constant 48 : index
      %swap3A_92 = tpu.vector_load %arg8[%swap3A_90, %swap3A_91] {strides = array<i32>} : memref<128x128xf32, #tpu.memory_space<vmem>>, vector<1x16xf32>,
      %swap3A_93 = vector.shape_cast %swap3A_92 : vector<1x16xf32> to vector<16xf32>
      %swap3A_94 = vector.shape_cast %broadcast_in_dim3A_1 : vector<16xf32> to vector<1x16xf32>
      tpu.vector_store %arg8[%swap3A_90, %swap3A_91], %swap3A_94 {strides = array<i32>} : memref<128x128xf32, #tpu.memory_space<vmem>>, vector<1x16xf32>,
      %swap3A_95 = arith.index_cast %scan3A_74 : i32 to index
      %swap3A_96 = arith.constant 64 : index
      %swap3A_97 = tpu.vector_load %arg8[%swap3A_95, %swap3A_96] {strides = array<i32>} : memref<128x128xf32, #tpu.memory_space<vmem>>, vector<1x16xf32>,
      %swap3A_98 = vector.shape_cast %swap3A_97 : vector<1x16xf32> to vector<16xf32>
      %swap3A_99 = vector.shape_cast %broadcast_in_dim3A_1 : vector<16xf32> to vector<1x16xf32>
      tpu.vector_store %arg8[%swap3A_95, %swap3A_96], %swap3A_99 {strides = array<i32>} : memref<128x128xf32, #tpu.memory_space<vmem>>, vector<1x16xf32>,
      %swap3A_100 = arith.index_cast %scan3A_74 : i32 to index
      %swap3A_101 = arith.constant 80 : index
      %swap3A_102 = tpu.vector_load %arg8[%swap3A_100, %swap3A_101] {strides = array<i32>} : memref<128x128xf32, #tpu.memory_space<vmem>>, vector<1x16xf32>,
      %swap3A_103 = vector.shape_cast %swap3A_102 : vector<1x16xf32> to vector<16xf32>
      %swap3A_104 = vector.shape_cast %broadcast_in_dim3A_1 : vector<16xf32> to vector<1x16xf32>
      tpu.vector_store %arg8[%swap3A_100, %swap3A_101], %swap3A_104 {strides = array<i32>} : memref<128x128xf32, #tpu.memory_space<vmem>>, vector<1x16xf32>,
      %swap3A_105 = arith.index_cast %scan3A_74 : i32 to index
      %swap3A_106 = arith.constant 96 : index
      %swap3A_107 = tpu.vector_load %arg8[%swap3A_105, %swap3A_106] {strides = array<i32>} : memref<128x128xf32, #tpu.memory_space<vmem>>, vector<1x16xf32>,
      %swap3A_108 = vector.shape_cast %swap3A_107 : vector<1x16xf32> to vector<16xf32>
      %swap3A_109 = vector.shape_cast %broadcast_in_dim3A_1 : vector<16xf32> to vector<1x16xf32>
      tpu.vector_store %arg8[%swap3A_105, %swap3A_106], %swap3A_109 {strides = array<i32>} : memref<128x128xf32, #tpu.memory_space<vmem>>, vector<1x16xf32>,
      %swap3A_110 = arith.index_cast %scan3A_74 : i32 to index
      %swap3A_111 = arith.constant 112 : index
      %swap3A_112 = tpu.vector_load %arg8[%swap3A_110, %swap3A_111] {strides = array<i32>} : memref<128x128xf32, #tpu.memory_space<vmem>>, vector<1x16xf32>,
      %swap3A_113 = vector.shape_cast %swap3A_112 : vector<1x16xf32> to vector<16xf32>
      %swap3A_114 = vector.shape_cast %broadcast_in_dim3A_1 : vector<16xf32> to vector<1x16xf32>
      tpu.vector_store %arg8[%swap3A_110, %swap3A_111], %swap3A_114 {strides = array<i32>} : memref<128x128xf32, #tpu.memory_space<vmem>>, vector<1x16xf32>,
      %scan3A_115 = arith.constant 0 : i32
      scf.yield %scan3A_115 : i32
    }
    %scan3A_7 = arith.constant 128 : i32
    %mul3A_8 = arith.constant 640 : i32
    %mul3A_9 = arith.muli %arg1, %mul3A_8 : i32
    %add3A_10 = arith.constant 0 : i32
    %add3A_11 = arith.addi %mul3A_9, %add3A_10 : i32
    "tpu.region"() ({
      %run_scoped3A = tpu.sem_alloc : memref<!tpu.dma_semaphore, #tpu.memory_space<semaphore_mem>>
      %dma_start3A_74 = arith.constant 0 : i32
      %dma_start3A_75 = tpu.memref_slice %arg10[%add3A_11, %dma_start3A_74] : memref<10240x128xf32, #tpu.memory_space<vmem_shared>> -> memref<128x128xf32, #tpu.memory_space<vmem_shared>>
      %dma_start3A_76 = arith.constant 0 : i32
      %dma_start3A_77 = tpu.memref_slice %arg10[%add3A_11, %dma_start3A_76] : memref<10240x128xf32, #tpu.memory_space<vmem_shared>> -> memref<128x128xf32, #tpu.memory_space<vmem_shared>>
      tpu.enqueue_dma source(%arg8 : memref<128x128xf32, #tpu.memory_space<vmem>>) target(%dma_start3A_77 : memref<128x128xf32, #tpu.memory_space<vmem_shared>>) target_semaphore(%run_scoped3A : memref<!tpu.dma_semaphore, #tpu.memory_space<semaphore_mem>>)
      %dma_wait3A = arith.constant 0 : i32
      %dma_wait3A_78 = tpu.memref_slice %arg10[%add3A_11, %dma_wait3A] : memref<10240x128xf32, #tpu.memory_space<vmem_shared>> -> memref<128x128xf32, #tpu.memory_space<vmem_shared>>
      %dma_wait3A_79 = arith.constant 0 : i32
      %dma_wait3A_80 = tpu.memref_slice %arg10[%add3A_11, %dma_wait3A_79] : memref<10240x128xf32, #tpu.memory_space<vmem_shared>> -> memref<128x128xf32, #tpu.memory_space<vmem_shared>>
      tpu.wait_dma2 semaphore(%run_scoped3A : memref<!tpu.dma_semaphore, #tpu.memory_space<semaphore_mem>>) src(%arg8 : memref<128x128xf32, #tpu.memory_space<vmem>>) dst(%dma_wait3A_80 : memref<128x128xf32, #tpu.memory_space<vmem_shared>>)
      tpu.yield
    }) : () -> ()
    %mul3A_12 = arith.constant 640 : i32
    %mul3A_13 = arith.muli %arg1, %mul3A_12 : i32
    %add3A_14 = arith.constant 128 : i32
    %add3A_15 = arith.addi %mul3A_13, %add3A_14 : i32
    "tpu.region"() ({
      %run_scoped3A = tpu.sem_alloc : memref<!tpu.dma_semaphore, #tpu.memory_space<semaphore_mem>>
      %dma_start3A_74 = arith.constant 0 : i32
      %dma_start3A_75 = tpu.memref_slice %arg10[%add3A_15, %dma_start3A_74] : memref<10240x128xf32, #tpu.memory_space<vmem_shared>> -> memref<128x128xf32, #tpu.memory_space<vmem_shared>>
      %dma_start3A_76 = arith.constant 0 : i32
      %dma_start3A_77 = tpu.memref_slice %arg10[%add3A_15, %dma_start3A_76] : memref<10240x128xf32, #tpu.memory_space<vmem_shared>> -> memref<128x128xf32, #tpu.memory_space<vmem_shared>>
      tpu.enqueue_dma source(%arg8 : memref<128x128xf32, #tpu.memory_space<vmem>>) target(%dma_start3A_77 : memref<128x128xf32, #tpu.memory_space<vmem_shared>>) target_semaphore(%run_scoped3A : memref<!tpu.dma_semaphore, #tpu.memory_space<semaphore_mem>>)
      %dma_wait3A = arith.constant 0 : i32
      %dma_wait3A_78 = tpu.memref_slice %arg10[%add3A_15, %dma_wait3A] : memref<10240x128xf32, #tpu.memory_space<vmem_shared>> -> memref<128x128xf32, #tpu.memory_space<vmem_shared>>
      %dma_wait3A_79 = arith.constant 0 : i32
      %dma_wait3A_80 = tpu.memref_slice %arg10[%add3A_15, %dma_wait3A_79] : memref<10240x128xf32, #tpu.memory_space<vmem_shared>> -> memref<128x128xf32, #tpu.memory_space<vmem_shared>>
      tpu.wait_dma2 semaphore(%run_scoped3A : memref<!tpu.dma_semaphore, #tpu.memory_space<semaphore_mem>>) src(%arg8 : memref<128x128xf32, #tpu.memory_space<vmem>>) dst(%dma_wait3A_80 : memref<128x128xf32, #tpu.memory_space<vmem_shared>>)
      tpu.yield
    }) : () -> ()
    %mul3A_16 = arith.constant 640 : i32
    %mul3A_17 = arith.muli %arg1, %mul3A_16 : i32
    %add3A_18 = arith.constant 256 : i32
    %add3A_19 = arith.addi %mul3A_17, %add3A_18 : i32
    "tpu.region"() ({
      %run_scoped3A = tpu.sem_alloc : memref<!tpu.dma_semaphore, #tpu.memory_space<semaphore_mem>>
      %dma_start3A_74 = arith.constant 0 : i32
      %dma_start3A_75 = tpu.memref_slice %arg10[%add3A_19, %dma_start3A_74] : memref<10240x128xf32, #tpu.memory_space<vmem_shared>> -> memref<128x128xf32, #tpu.memory_space<vmem_shared>>
      %dma_start3A_76 = arith.constant 0 : i32
      %dma_start3A_77 = tpu.memref_slice %arg10[%add3A_19, %dma_start3A_76] : memref<10240x128xf32, #tpu.memory_space<vmem_shared>> -> memref<128x128xf32, #tpu.memory_space<vmem_shared>>
      tpu.enqueue_dma source(%arg8 : memref<128x128xf32, #tpu.memory_space<vmem>>) target(%dma_start3A_77 : memref<128x128xf32, #tpu.memory_space<vmem_shared>>) target_semaphore(%run_scoped3A : memref<!tpu.dma_semaphore, #tpu.memory_space<semaphore_mem>>)
      %dma_wait3A = arith.constant 0 : i32
      %dma_wait3A_78 = tpu.memref_slice %arg10[%add3A_19, %dma_wait3A] : memref<10240x128xf32, #tpu.memory_space<vmem_shared>> -> memref<128x128xf32, #tpu.memory_space<vmem_shared>>
      %dma_wait3A_79 = arith.constant 0 : i32
      %dma_wait3A_80 = tpu.memref_slice %arg10[%add3A_19, %dma_wait3A_79] : memref<10240x128xf32, #tpu.memory_space<vmem_shared>> -> memref<128x128xf32, #tpu.memory_space<vmem_shared>>
      tpu.wait_dma2 semaphore(%run_scoped3A : memref<!tpu.dma_semaphore, #tpu.memory_space<semaphore_mem>>) src(%arg8 : memref<128x128xf32, #tpu.memory_space<vmem>>) dst(%dma_wait3A_80 : memref<128x128xf32, #tpu.memory_space<vmem_shared>>)
      tpu.yield
    }) : () -> ()
    %mul3A_20 = arith.constant 640 : i32
    %mul3A_21 = arith.muli %arg1, %mul3A_20 : i32
    %add3A_22 = arith.constant 384 : i32
    %add3A_23 = arith.addi %mul3A_21, %add3A_22 : i32
    "tpu.region"() ({
      %run_scoped3A = tpu.sem_alloc : memref<!tpu.dma_semaphore, #tpu.memory_space<semaphore_mem>>
      %dma_start3A_74 = arith.constant 0 : i32
      %dma_start3A_75 = tpu.memref_slice %arg10[%add3A_23, %dma_start3A_74] : memref<10240x128xf32, #tpu.memory_space<vmem_shared>> -> memref<128x128xf32, #tpu.memory_space<vmem_shared>>
      %dma_start3A_76 = arith.constant 0 : i32
      %dma_start3A_77 = tpu.memref_slice %arg10[%add3A_23, %dma_start3A_76] : memref<10240x128xf32, #tpu.memory_space<vmem_shared>> -> memref<128x128xf32, #tpu.memory_space<vmem_shared>>
      tpu.enqueue_dma source(%arg8 : memref<128x128xf32, #tpu.memory_space<vmem>>) target(%dma_start3A_77 : memref<128x128xf32, #tpu.memory_space<vmem_shared>>) target_semaphore(%run_scoped3A : memref<!tpu.dma_semaphore, #tpu.memory_space<semaphore_mem>>)
      %dma_wait3A = arith.constant 0 : i32
      %dma_wait3A_78 = tpu.memref_slice %arg10[%add3A_23, %dma_wait3A] : memref<10240x128xf32, #tpu.memory_space<vmem_shared>> -> memref<128x128xf32, #tpu.memory_space<vmem_shared>>
      %dma_wait3A_79 = arith.constant 0 : i32
      %dma_wait3A_80 = tpu.memref_slice %arg10[%add3A_23, %dma_wait3A_79] : memref<10240x128xf32, #tpu.memory_space<vmem_shared>> -> memref<128x128xf32, #tpu.memory_space<vmem_shared>>
      tpu.wait_dma2 semaphore(%run_scoped3A : memref<!tpu.dma_semaphore, #tpu.memory_space<semaphore_mem>>) src(%arg8 : memref<128x128xf32, #tpu.memory_space<vmem>>) dst(%dma_wait3A_80 : memref<128x128xf32, #tpu.memory_space<vmem_shared>>)
      tpu.yield
    }) : () -> ()
    %mul3A_24 = arith.constant 640 : i32
    %mul3A_25 = arith.muli %arg1, %mul3A_24 : i32
    %add3A_26 = arith.constant 512 : i32
    %add3A_27 = arith.addi %mul3A_25, %add3A_26 : i32
    "tpu.region"() ({
      %run_scoped3A = tpu.sem_alloc : memref<!tpu.dma_semaphore, #tpu.memory_space<semaphore_mem>>
      %dma_start3A_74 = arith.constant 0 : i32
      %dma_start3A_75 = tpu.memref_slice %arg10[%add3A_27, %dma_start3A_74] : memref<10240x128xf32, #tpu.memory_space<vmem_shared>> -> memref<128x128xf32, #tpu.memory_space<vmem_shared>>
      %dma_start3A_76 = arith.constant 0 : i32
      %dma_start3A_77 = tpu.memref_slice %arg10[%add3A_27, %dma_start3A_76] : memref<10240x128xf32, #tpu.memory_space<vmem_shared>> -> memref<128x128xf32, #tpu.memory_space<vmem_shared>>
      tpu.enqueue_dma source(%arg8 : memref<128x128xf32, #tpu.memory_space<vmem>>) target(%dma_start3A_77 : memref<128x128xf32, #tpu.memory_space<vmem_shared>>) target_semaphore(%run_scoped3A : memref<!tpu.dma_semaphore, #tpu.memory_space<semaphore_mem>>)
      %dma_wait3A = arith.constant 0 : i32
      %dma_wait3A_78 = tpu.memref_slice %arg10[%add3A_27, %dma_wait3A] : memref<10240x128xf32, #tpu.memory_space<vmem_shared>> -> memref<128x128xf32, #tpu.memory_space<vmem_shared>>
      %dma_wait3A_79 = arith.constant 0 : i32
      %dma_wait3A_80 = tpu.memref_slice %arg10[%add3A_27, %dma_wait3A_79] : memref<10240x128xf32, #tpu.memory_space<vmem_shared>> -> memref<128x128xf32, #tpu.memory_space<vmem_shared>>
      tpu.wait_dma2 semaphore(%run_scoped3A : memref<!tpu.dma_semaphore, #tpu.memory_space<semaphore_mem>>) src(%arg8 : memref<128x128xf32, #tpu.memory_space<vmem>>) dst(%dma_wait3A_80 : memref<128x128xf32, #tpu.memory_space<vmem_shared>>)
      tpu.yield
    }) : () -> ()
    %barrier3A = arith.constant 0 : index
    tpu.barrier barrier_id(%barrier3A)
    "tpu.region"() ({
      %run_scoped3A = tpu.sem_alloc : memref<!tpu.dma_semaphore, #tpu.memory_space<semaphore_mem>>
      %dma_start3A_74 = arith.constant 0 : i32
      %dma_start3A_75 = arith.constant 0 : i32
      %dma_start3A_76 = tpu.memref_slice %arg2[%add3A, %dma_start3A_74, %dma_start3A_75] : memref<32x80x128xi32, #tpu.memory_space<hbm>> -> memref<1x40x128xi32, #tpu.memory_space<hbm>>
      %dma_start3A_77 = tpu.memref_squeeze %dma_start3A_76 : memref<1x40x128xi32, #tpu.memory_space<hbm>> -> memref<40x128xi32, #tpu.memory_space<hbm>>
      %dma_start3A_78 = arith.constant 0 : i32
      %dma_start3A_79 = arith.constant 0 : i32
      %dma_start3A_80 = tpu.memref_slice %arg2[%add3A, %dma_start3A_78, %dma_start3A_79] : memref<32x80x128xi32, #tpu.memory_space<hbm>> -> memref<1x40x128xi32, #tpu.memory_space<hbm>>
      %dma_start3A_81 = tpu.memref_squeeze %dma_start3A_80 : memref<1x40x128xi32, #tpu.memory_space<hbm>> -> memref<40x128xi32, #tpu.memory_space<hbm>>
      tpu.enqueue_dma source(%dma_start3A_81 : memref<40x128xi32, #tpu.memory_space<hbm>>) target(%arg6 : memref<40x128xi32, #tpu.memory_space<vmem>>) target_semaphore(%run_scoped3A : memref<!tpu.dma_semaphore, #tpu.memory_space<semaphore_mem>>)
      %dma_wait3A = arith.constant 0 : i32
      %dma_wait3A_82 = arith.constant 0 : i32
      %dma_wait3A_83 = tpu.memref_slice %arg2[%add3A, %dma_wait3A, %dma_wait3A_82] : memref<32x80x128xi32, #tpu.memory_space<hbm>> -> memref<1x40x128xi32, #tpu.memory_space<hbm>>
      %dma_wait3A_84 = tpu.memref_squeeze %dma_wait3A_83 : memref<1x40x128xi32, #tpu.memory_space<hbm>> -> memref<40x128xi32, #tpu.memory_space<hbm>>
      %dma_wait3A_85 = arith.constant 0 : i32
      %dma_wait3A_86 = arith.constant 0 : i32
      %dma_wait3A_87 = tpu.memref_slice %arg2[%add3A, %dma_wait3A_85, %dma_wait3A_86] : memref<32x80x128xi32, #tpu.memory_space<hbm>> -> memref<1x40x128xi32, #tpu.memory_space<hbm>>
      %dma_wait3A_88 = tpu.memref_squeeze %dma_wait3A_87 : memref<1x40x128xi32, #tpu.memory_space<hbm>> -> memref<40x128xi32, #tpu.memory_space<hbm>>
      tpu.wait_dma2 semaphore(%run_scoped3A : memref<!tpu.dma_semaphore, #tpu.memory_space<semaphore_mem>>) src(%dma_wait3A_88 : memref<40x128xi32, #tpu.memory_space<hbm>>) dst(%arg6 : memref<40x128xi32, #tpu.memory_space<vmem>>)
      tpu.yield
    }) : () -> ()
    "tpu.region"() ({
      %run_scoped3A = tpu.sem_alloc : memref<!tpu.dma_semaphore, #tpu.memory_space<semaphore_mem>>
      %dma_start3A_74 = arith.constant 0 : i32
      %dma_start3A_75 = arith.constant 0 : i32
      %dma_start3A_76 = tpu.memref_slice %arg3[%add3A, %dma_start3A_74, %dma_start3A_75] : memref<32x80x128xi32, #tpu.memory_space<hbm>> -> memref<1x40x128xi32, #tpu.memory_space<hbm>>
      %dma_start3A_77 = tpu.memref_squeeze %dma_start3A_76 : memref<1x40x128xi32, #tpu.memory_space<hbm>> -> memref<40x128xi32, #tpu.memory_space<hbm>>
      %dma_start3A_78 = arith.constant 0 : i32
      %dma_start3A_79 = arith.constant 0 : i32
      %dma_start3A_80 = tpu.memref_slice %arg3[%add3A, %dma_start3A_78, %dma_start3A_79] : memref<32x80x128xi32, #tpu.memory_space<hbm>> -> memref<1x40x128xi32, #tpu.memory_space<hbm>>
      %dma_start3A_81 = tpu.memref_squeeze %dma_start3A_80 : memref<1x40x128xi32, #tpu.memory_space<hbm>> -> memref<40x128xi32, #tpu.memory_space<hbm>>
      tpu.enqueue_dma source(%dma_start3A_81 : memref<40x128xi32, #tpu.memory_space<hbm>>) target(%arg7 : memref<40x128xi32, #tpu.memory_space<vmem>>) target_semaphore(%run_scoped3A : memref<!tpu.dma_semaphore, #tpu.memory_space<semaphore_mem>>)
      %dma_wait3A = arith.constant 0 : i32
      %dma_wait3A_82 = arith.constant 0 : i32
      %dma_wait3A_83 = tpu.memref_slice %arg3[%add3A, %dma_wait3A, %dma_wait3A_82] : memref<32x80x128xi32, #tpu.memory_space<hbm>> -> memref<1x40x128xi32, #tpu.memory_space<hbm>>
      %dma_wait3A_84 = tpu.memref_squeeze %dma_wait3A_83 : memref<1x40x128xi32, #tpu.memory_space<hbm>> -> memref<40x128xi32, #tpu.memory_space<hbm>>
      %dma_wait3A_85 = arith.constant 0 : i32
      %dma_wait3A_86 = arith.constant 0 : i32
      %dma_wait3A_87 = tpu.memref_slice %arg3[%add3A, %dma_wait3A_85, %dma_wait3A_86] : memref<32x80x128xi32, #tpu.memory_space<hbm>> -> memref<1x40x128xi32, #tpu.memory_space<hbm>>
      %dma_wait3A_88 = tpu.memref_squeeze %dma_wait3A_87 : memref<1x40x128xi32, #tpu.memory_space<hbm>> -> memref<40x128xi32, #tpu.memory_space<hbm>>
      tpu.wait_dma2 semaphore(%run_scoped3A : memref<!tpu.dma_semaphore, #tpu.memory_space<semaphore_mem>>) src(%dma_wait3A_88 : memref<40x128xi32, #tpu.memory_space<hbm>>) dst(%arg7 : memref<40x128xi32, #tpu.memory_space<vmem>>)
      tpu.yield
    }) : () -> ()
    %dma_start3A = arith.constant 0 : i32
    %dma_start3A_28 = arith.constant 0 : i32
    %dma_start3A_29 = tpu.memref_slice %arg6[%dma_start3A, %dma_start3A_28] : memref<40x128xi32, #tpu.memory_space<vmem>> -> memref<1x128xi32, #tpu.memory_space<vmem>>
    %dma_start3A_30 = tpu.memref_squeeze %dma_start3A_29 : memref<1x128xi32, #tpu.memory_space<vmem>> -> memref<128xi32, #tpu.memory_space<vmem>>
    %dma_start3A_31 = arith.constant 0 : i32
    %dma_start3A_32 = arith.constant 0 : i32
    %dma_start3A_33 = tpu.memref_slice %arg4[%dma_start3A_31, %dma_start3A_32] : memref<10240x128xf32, #tpu.memory_space<hbm>> -> memref<10240x128xf32, #tpu.memory_space<hbm>>
    tpu.enqueue_indirect_dma source(%dma_start3A_33 : memref<10240x128xf32, #tpu.memory_space<hbm>>) target(%arg8 : memref<128x128xf32, #tpu.memory_space<vmem>>) offsets(%dma_start3A_30 : memref<128xi32, #tpu.memory_space<vmem>>) semaphore(%arg11 : memref<!tpu.dma_semaphore, #tpu.memory_space<semaphore_mem>>)
    %dma_start3A_34 = arith.constant 1 : i32
    %dma_start3A_35 = arith.constant 0 : i32
    %dma_start3A_36 = tpu.memref_slice %arg6[%dma_start3A_34, %dma_start3A_35] : memref<40x128xi32, #tpu.memory_space<vmem>> -> memref<1x128xi32, #tpu.memory_space<vmem>>
    %dma_start3A_37 = tpu.memref_squeeze %dma_start3A_36 : memref<1x128xi32, #tpu.memory_space<vmem>> -> memref<128xi32, #tpu.memory_space<vmem>>
    %dma_start3A_38 = arith.constant 0 : i32
    %dma_start3A_39 = arith.constant 0 : i32
    %dma_start3A_40 = tpu.memref_slice %arg4[%dma_start3A_38, %dma_start3A_39] : memref<10240x128xf32, #tpu.memory_space<hbm>> -> memref<10240x128xf32, #tpu.memory_space<hbm>>
    tpu.enqueue_indirect_dma source(%dma_start3A_40 : memref<10240x128xf32, #tpu.memory_space<hbm>>) target(%arg9 : memref<128x128xf32, #tpu.memory_space<vmem>>) offsets(%dma_start3A_37 : memref<128xi32, #tpu.memory_space<vmem>>) semaphore(%arg12 : memref<!tpu.dma_semaphore, #tpu.memory_space<semaphore_mem>>)
    %scan3A_41 = arith.constant 0 : i32
    %scan3A_42 = arith.constant 0 : i32
    %scan3A_43 = arith.constant 20 : i32
    %scan3A_44 = arith.addi %scan3A_42, %scan3A_43 : i32
    %scan3A_45 = arith.constant 1 : i32
    %scan3A_46 = scf.for %scan3A_74 = %scan3A_42 to %scan3A_44 step %scan3A_45 iter_args(%scan3A_75 = %scan3A_41) -> (i32)  : i32 {
      %mul3A_76 = arith.constant 2 : i32
      %mul3A_77 = arith.muli %mul3A_76, %scan3A_74 : i32
      %mul3A_78 = arith.constant 2 : i32
      %mul3A_79 = arith.muli %mul3A_78, %scan3A_74 : i32
      %add3A_80 = arith.constant 1 : i32
      %add3A_81 = arith.addi %mul3A_79, %add3A_80 : i32
      %dma_wait3A = arith.constant 0 : i32
      %dma_wait3A_82 = tpu.memref_slice %arg6[%mul3A_77, %dma_wait3A] : memref<40x128xi32, #tpu.memory_space<vmem>> -> memref<1x128xi32, #tpu.memory_space<vmem>>
      %dma_wait3A_83 = tpu.memref_squeeze %dma_wait3A_82 : memref<1x128xi32, #tpu.memory_space<vmem>> -> memref<128xi32, #tpu.memory_space<vmem>>
      %dma_wait3A_84 = arith.constant 0 : i32
      %dma_wait3A_85 = arith.constant 0 : i32
      %dma_wait3A_86 = tpu.memref_slice %arg4[%dma_wait3A_84, %dma_wait3A_85] : memref<10240x128xf32, #tpu.memory_space<hbm>> -> memref<10240x128xf32, #tpu.memory_space<hbm>>
      tpu.wait_indirect_dma semaphore(%arg11 : memref<!tpu.dma_semaphore, #tpu.memory_space<semaphore_mem>>) src(%dma_wait3A_86 : memref<10240x128xf32, #tpu.memory_space<hbm>>) dst(%arg8 : memref<128x128xf32, #tpu.memory_space<vmem>>)
      "tpu.region"() ({
        %run_scoped3A = tpu.sem_alloc : memref<!tpu.dma_semaphore, #tpu.memory_space<semaphore_mem>>
        %dma_start3A_105 = arith.constant 0 : i32
        %dma_start3A_106 = tpu.memref_slice %arg7[%mul3A_77, %dma_start3A_105] : memref<40x128xi32, #tpu.memory_space<vmem>> -> memref<1x128xi32, #tpu.memory_space<vmem>>
        %dma_start3A_107 = tpu.memref_squeeze %dma_start3A_106 : memref<1x128xi32, #tpu.memory_space<vmem>> -> memref<128xi32, #tpu.memory_space<vmem>>
        %dma_start3A_108 = arith.constant 0 : i32
        %dma_start3A_109 = arith.constant 0 : i32
        %dma_start3A_110 = tpu.memref_slice %arg10[%dma_start3A_108, %dma_start3A_109] : memref<10240x128xf32, #tpu.memory_space<vmem_shared>> -> memref<10240x128xf32, #tpu.memory_space<vmem_shared>>
        tpu.enqueue_indirect_dma source(%arg8 : memref<128x128xf32, #tpu.memory_space<vmem>>) target(%dma_start3A_110 : memref<10240x128xf32, #tpu.memory_space<vmem_shared>>) offsets(%dma_start3A_107 : memref<128xi32, #tpu.memory_space<vmem>>) semaphore(%run_scoped3A : memref<!tpu.dma_semaphore, #tpu.memory_space<semaphore_mem>>) {add = true}
        %dma_wait3A_111 = arith.constant 0 : i32
        %dma_wait3A_112 = tpu.memref_slice %arg7[%mul3A_77, %dma_wait3A_111] : memref<40x128xi32, #tpu.memory_space<vmem>> -> memref<1x128xi32, #tpu.memory_space<vmem>>
        %dma_wait3A_113 = tpu.memref_squeeze %dma_wait3A_112 : memref<1x128xi32, #tpu.memory_space<vmem>> -> memref<128xi32, #tpu.memory_space<vmem>>
        %dma_wait3A_114 = arith.constant 0 : i32
        %dma_wait3A_115 = arith.constant 0 : i32
        %dma_wait3A_116 = tpu.memref_slice %arg10[%dma_wait3A_114, %dma_wait3A_115] : memref<10240x128xf32, #tpu.memory_space<vmem_shared>> -> memref<10240x128xf32, #tpu.memory_space<vmem_shared>>
        tpu.wait_indirect_dma semaphore(%run_scoped3A : memref<!tpu.dma_semaphore, #tpu.memory_space<semaphore_mem>>) src(%arg8 : memref<128x128xf32, #tpu.memory_space<vmem>>) dst(%dma_wait3A_116 : memref<10240x128xf32, #tpu.memory_space<vmem_shared>>)
        tpu.yield
      }) : () -> ()
      %add3A_87 = arith.constant 2 : i32
      %add3A_88 = arith.addi %mul3A_77, %add3A_87 : i32
      %lt3A = arith.constant 40 : i32
      %lt3A_89 = arith.cmpi slt, %add3A_88, %lt3A : i32
      %convert_element_type3A = arith.extui %lt3A_89 : i1 to i32
      %cond3A = arith.constant 0 : i32
      %cond3A_90 = arith.cmpi ne, %convert_element_type3A, %cond3A : i32
      scf.if %cond3A_90 {
        %add3A_105 = arith.constant 2 : i32
        %add3A_106 = arith.addi %mul3A_77, %add3A_105 : i32
        %dma_start3A_107 = arith.constant 0 : i32
        %dma_start3A_108 = tpu.memref_slice %arg6[%add3A_106, %dma_start3A_107] : memref<40x128xi32, #tpu.memory_space<vmem>> -> memref<1x128xi32, #tpu.memory_space<vmem>>
        %dma_start3A_109 = tpu.memref_squeeze %dma_start3A_108 : memref<1x128xi32, #tpu.memory_space<vmem>> -> memref<128xi32, #tpu.memory_space<vmem>>
        %dma_start3A_110 = arith.constant 0 : i32
        %dma_start3A_111 = arith.constant 0 : i32
        %dma_start3A_112 = tpu.memref_slice %arg4[%dma_start3A_110, %dma_start3A_111] : memref<10240x128xf32, #tpu.memory_space<hbm>> -> memref<10240x128xf32, #tpu.memory_space<hbm>>
        tpu.enqueue_indirect_dma source(%dma_start3A_112 : memref<10240x128xf32, #tpu.memory_space<hbm>>) target(%arg8 : memref<128x128xf32, #tpu.memory_space<vmem>>) offsets(%dma_start3A_109 : memref<128xi32, #tpu.memory_space<vmem>>) semaphore(%arg11 : memref<!tpu.dma_semaphore, #tpu.memory_space<semaphore_mem>>)
      } else {
      }
      %dma_wait3A_91 = arith.constant 0 : i32
      %dma_wait3A_92 = tpu.memref_slice %arg6[%add3A_81, %dma_wait3A_91] : memref<40x128xi32, #tpu.memory_space<vmem>> -> memref<1x128xi32, #tpu.memory_space<vmem>>
      %dma_wait3A_93 = tpu.memref_squeeze %dma_wait3A_92 : memref<1x128xi32, #tpu.memory_space<vmem>> -> memref<128xi32, #tpu.memory_space<vmem>>
      %dma_wait3A_94 = arith.constant 0 : i32
      %dma_wait3A_95 = arith.constant 0 : i32
      %dma_wait3A_96 = tpu.memref_slice %arg4[%dma_wait3A_94, %dma_wait3A_95] : memref<10240x128xf32, #tpu.memory_space<hbm>> -> memref<10240x128xf32, #tpu.memory_space<hbm>>
      tpu.wait_indirect_dma semaphore(%arg12 : memref<!tpu.dma_semaphore, #tpu.memory_space<semaphore_mem>>) src(%dma_wait3A_96 : memref<10240x128xf32, #tpu.memory_space<hbm>>) dst(%arg9 : memref<128x128xf32, #tpu.memory_space<vmem>>)
      "tpu.region"() ({
        %run_scoped3A = tpu.sem_alloc : memref<!tpu.dma_semaphore, #tpu.memory_space<semaphore_mem>>
        %dma_start3A_105 = arith.constant 0 : i32
        %dma_start3A_106 = tpu.memref_slice %arg7[%add3A_81, %dma_start3A_105] : memref<40x128xi32, #tpu.memory_space<vmem>> -> memref<1x128xi32, #tpu.memory_space<vmem>>
        %dma_start3A_107 = tpu.memref_squeeze %dma_start3A_106 : memref<1x128xi32, #tpu.memory_space<vmem>> -> memref<128xi32, #tpu.memory_space<vmem>>
        %dma_start3A_108 = arith.constant 0 : i32
        %dma_start3A_109 = arith.constant 0 : i32
        %dma_start3A_110 = tpu.memref_slice %arg10[%dma_start3A_108, %dma_start3A_109] : memref<10240x128xf32, #tpu.memory_space<vmem_shared>> -> memref<10240x128xf32, #tpu.memory_space<vmem_shared>>
        tpu.enqueue_indirect_dma source(%arg9 : memref<128x128xf32, #tpu.memory_space<vmem>>) target(%dma_start3A_110 : memref<10240x128xf32, #tpu.memory_space<vmem_shared>>) offsets(%dma_start3A_107 : memref<128xi32, #tpu.memory_space<vmem>>) semaphore(%run_scoped3A : memref<!tpu.dma_semaphore, #tpu.memory_space<semaphore_mem>>) {add = true}
        %dma_wait3A_111 = arith.constant 0 : i32
        %dma_wait3A_112 = tpu.memref_slice %arg7[%add3A_81, %dma_wait3A_111] : memref<40x128xi32, #tpu.memory_space<vmem>> -> memref<1x128xi32, #tpu.memory_space<vmem>>
        %dma_wait3A_113 = tpu.memref_squeeze %dma_wait3A_112 : memref<1x128xi32, #tpu.memory_space<vmem>> -> memref<128xi32, #tpu.memory_space<vmem>>
        %dma_wait3A_114 = arith.constant 0 : i32
        %dma_wait3A_115 = arith.constant 0 : i32
        %dma_wait3A_116 = tpu.memref_slice %arg10[%dma_wait3A_114, %dma_wait3A_115] : memref<10240x128xf32, #tpu.memory_space<vmem_shared>> -> memref<10240x128xf32, #tpu.memory_space<vmem_shared>>
        tpu.wait_indirect_dma semaphore(%run_scoped3A : memref<!tpu.dma_semaphore, #tpu.memory_space<semaphore_mem>>) src(%arg9 : memref<128x128xf32, #tpu.memory_space<vmem>>) dst(%dma_wait3A_116 : memref<10240x128xf32, #tpu.memory_space<vmem_shared>>)
        tpu.yield
      }) : () -> ()
      %add3A_97 = arith.constant 2 : i32
      %add3A_98 = arith.addi %add3A_81, %add3A_97 : i32
      %lt3A_99 = arith.constant 40 : i32
      %lt3A_100 = arith.cmpi slt, %add3A_98, %lt3A_99 : i32
      %convert_element_type3A_101 = arith.extui %lt3A_100 : i1 to i32
      %cond3A_102 = arith.constant 0 : i32
      %cond3A_103 = arith.cmpi ne, %convert_element_type3A_101, %cond3A_102 : i32
      scf.if %cond3A_103 {
        %add3A_105 = arith.constant 2 : i32
        %add3A_106 = arith.addi %add3A_81, %add3A_105 : i32
        %dma_start3A_107 = arith.constant 0 : i32
        %dma_start3A_108 = tpu.memref_slice %arg6[%add3A_106, %dma_start3A_107] : memref<40x128xi32, #tpu.memory_space<vmem>> -> memref<1x128xi32, #tpu.memory_space<vmem>>
        %dma_start3A_109 = tpu.memref_squeeze %dma_start3A_108 : memref<1x128xi32, #tpu.memory_space<vmem>> -> memref<128xi32, #tpu.memory_space<vmem>>
        %dma_start3A_110 = arith.constant 0 : i32
        %dma_start3A_111 = arith.constant 0 : i32
        %dma_start3A_112 = tpu.memref_slice %arg4[%dma_start3A_110, %dma_start3A_111] : memref<10240x128xf32, #tpu.memory_space<hbm>> -> memref<10240x128xf32, #tpu.memory_space<hbm>>
        tpu.enqueue_indirect_dma source(%dma_start3A_112 : memref<10240x128xf32, #tpu.memory_space<hbm>>) target(%arg9 : memref<128x128xf32, #tpu.memory_space<vmem>>) offsets(%dma_start3A_109 : memref<128xi32, #tpu.memory_space<vmem>>) semaphore(%arg12 : memref<!tpu.dma_semaphore, #tpu.memory_space<semaphore_mem>>)
      } else {
      }
      %scan3A_104 = arith.constant 0 : i32
      scf.yield %scan3A_104 : i32
    }
    %scan3A_47 = arith.constant 20 : i32
    "tpu.region"() ({
      %run_scoped3A = tpu.sem_alloc : memref<!tpu.dma_semaphore, #tpu.memory_space<semaphore_mem>>
      %dma_start3A_74 = arith.constant 40 : i32
      %dma_start3A_75 = arith.constant 0 : i32
      %dma_start3A_76 = tpu.memref_slice %arg2[%add3A, %dma_start3A_74, %dma_start3A_75] : memref<32x80x128xi32, #tpu.memory_space<hbm>> -> memref<1x40x128xi32, #tpu.memory_space<hbm>>
      %dma_start3A_77 = tpu.memref_squeeze %dma_start3A_76 : memref<1x40x128xi32, #tpu.memory_space<hbm>> -> memref<40x128xi32, #tpu.memory_space<hbm>>
      %dma_start3A_78 = arith.constant 40 : i32
      %dma_start3A_79 = arith.constant 0 : i32
      %dma_start3A_80 = tpu.memref_slice %arg2[%add3A, %dma_start3A_78, %dma_start3A_79] : memref<32x80x128xi32, #tpu.memory_space<hbm>> -> memref<1x40x128xi32, #tpu.memory_space<hbm>>
      %dma_start3A_81 = tpu.memref_squeeze %dma_start3A_80 : memref<1x40x128xi32, #tpu.memory_space<hbm>> -> memref<40x128xi32, #tpu.memory_space<hbm>>
      tpu.enqueue_dma source(%dma_start3A_81 : memref<40x128xi32, #tpu.memory_space<hbm>>) target(%arg6 : memref<40x128xi32, #tpu.memory_space<vmem>>) target_semaphore(%run_scoped3A : memref<!tpu.dma_semaphore, #tpu.memory_space<semaphore_mem>>)
      %dma_wait3A = arith.constant 40 : i32
      %dma_wait3A_82 = arith.constant 0 : i32
      %dma_wait3A_83 = tpu.memref_slice %arg2[%add3A, %dma_wait3A, %dma_wait3A_82] : memref<32x80x128xi32, #tpu.memory_space<hbm>> -> memref<1x40x128xi32, #tpu.memory_space<hbm>>
      %dma_wait3A_84 = tpu.memref_squeeze %dma_wait3A_83 : memref<1x40x128xi32, #tpu.memory_space<hbm>> -> memref<40x128xi32, #tpu.memory_space<hbm>>
      %dma_wait3A_85 = arith.constant 40 : i32
      %dma_wait3A_86 = arith.constant 0 : i32
      %dma_wait3A_87 = tpu.memref_slice %arg2[%add3A, %dma_wait3A_85, %dma_wait3A_86] : memref<32x80x128xi32, #tpu.memory_space<hbm>> -> memref<1x40x128xi32, #tpu.memory_space<hbm>>
      %dma_wait3A_88 = tpu.memref_squeeze %dma_wait3A_87 : memref<1x40x128xi32, #tpu.memory_space<hbm>> -> memref<40x128xi32, #tpu.memory_space<hbm>>
      tpu.wait_dma2 semaphore(%run_scoped3A : memref<!tpu.dma_semaphore, #tpu.memory_space<semaphore_mem>>) src(%dma_wait3A_88 : memref<40x128xi32, #tpu.memory_space<hbm>>) dst(%arg6 : memref<40x128xi32, #tpu.memory_space<vmem>>)
      tpu.yield
    }) : () -> ()
    "tpu.region"() ({
      %run_scoped3A = tpu.sem_alloc : memref<!tpu.dma_semaphore, #tpu.memory_space<semaphore_mem>>
      %dma_start3A_74 = arith.constant 40 : i32
      %dma_start3A_75 = arith.constant 0 : i32
      %dma_start3A_76 = tpu.memref_slice %arg3[%add3A, %dma_start3A_74, %dma_start3A_75] : memref<32x80x128xi32, #tpu.memory_space<hbm>> -> memref<1x40x128xi32, #tpu.memory_space<hbm>>
      %dma_start3A_77 = tpu.memref_squeeze %dma_start3A_76 : memref<1x40x128xi32, #tpu.memory_space<hbm>> -> memref<40x128xi32, #tpu.memory_space<hbm>>
      %dma_start3A_78 = arith.constant 40 : i32
      %dma_start3A_79 = arith.constant 0 : i32
      %dma_start3A_80 = tpu.memref_slice %arg3[%add3A, %dma_start3A_78, %dma_start3A_79] : memref<32x80x128xi32, #tpu.memory_space<hbm>> -> memref<1x40x128xi32, #tpu.memory_space<hbm>>
      %dma_start3A_81 = tpu.memref_squeeze %dma_start3A_80 : memref<1x40x128xi32, #tpu.memory_space<hbm>> -> memref<40x128xi32, #tpu.memory_space<hbm>>
      tpu.enqueue_dma source(%dma_start3A_81 : memref<40x128xi32, #tpu.memory_space<hbm>>) target(%arg7 : memref<40x128xi32, #tpu.memory_space<vmem>>) target_semaphore(%run_scoped3A : memref<!tpu.dma_semaphore, #tpu.memory_space<semaphore_mem>>)
      %dma_wait3A = arith.constant 40 : i32
      %dma_wait3A_82 = arith.constant 0 : i32
      %dma_wait3A_83 = tpu.memref_slice %arg3[%add3A, %dma_wait3A, %dma_wait3A_82] : memref<32x80x128xi32, #tpu.memory_space<hbm>> -> memref<1x40x128xi32, #tpu.memory_space<hbm>>
      %dma_wait3A_84 = tpu.memref_squeeze %dma_wait3A_83 : memref<1x40x128xi32, #tpu.memory_space<hbm>> -> memref<40x128xi32, #tpu.memory_space<hbm>>
      %dma_wait3A_85 = arith.constant 40 : i32
      %dma_wait3A_86 = arith.constant 0 : i32
      %dma_wait3A_87 = tpu.memref_slice %arg3[%add3A, %dma_wait3A_85, %dma_wait3A_86] : memref<32x80x128xi32, #tpu.memory_space<hbm>> -> memref<1x40x128xi32, #tpu.memory_space<hbm>>
      %dma_wait3A_88 = tpu.memref_squeeze %dma_wait3A_87 : memref<1x40x128xi32, #tpu.memory_space<hbm>> -> memref<40x128xi32, #tpu.memory_space<hbm>>
      tpu.wait_dma2 semaphore(%run_scoped3A : memref<!tpu.dma_semaphore, #tpu.memory_space<semaphore_mem>>) src(%dma_wait3A_88 : memref<40x128xi32, #tpu.memory_space<hbm>>) dst(%arg7 : memref<40x128xi32, #tpu.memory_space<vmem>>)
      tpu.yield
    }) : () -> ()
    %dma_start3A_48 = arith.constant 0 : i32
    %dma_start3A_49 = arith.constant 0 : i32
    %dma_start3A_50 = tpu.memref_slice %arg6[%dma_start3A_48, %dma_start3A_49] : memref<40x128xi32, #tpu.memory_space<vmem>> -> memref<1x128xi32, #tpu.memory_space<vmem>>
    %dma_start3A_51 = tpu.memref_squeeze %dma_start3A_50 : memref<1x128xi32, #tpu.memory_space<vmem>> -> memref<128xi32, #tpu.memory_space<vmem>>
    %dma_start3A_52 = arith.constant 0 : i32
    %dma_start3A_53 = arith.constant 0 : i32
    %dma_start3A_54 = tpu.memref_slice %arg4[%dma_start3A_52, %dma_start3A_53] : memref<10240x128xf32, #tpu.memory_space<hbm>> -> memref<10240x128xf32, #tpu.memory_space<hbm>>
    tpu.enqueue_indirect_dma source(%dma_start3A_54 : memref<10240x128xf32, #tpu.memory_space<hbm>>) target(%arg8 : memref<128x128xf32, #tpu.memory_space<vmem>>) offsets(%dma_start3A_51 : memref<128xi32, #tpu.memory_space<vmem>>) semaphore(%arg11 : memref<!tpu.dma_semaphore, #tpu.memory_space<semaphore_mem>>)
    %dma_start3A_55 = arith.constant 1 : i32
    %dma_start3A_56 = arith.constant 0 : i32
    %dma_start3A_57 = tpu.memref_slice %arg6[%dma_start3A_55, %dma_start3A_56] : memref<40x128xi32, #tpu.memory_space<vmem>> -> memref<1x128xi32, #tpu.memory_space<vmem>>
    %dma_start3A_58 = tpu.memref_squeeze %dma_start3A_57 : memref<1x128xi32, #tpu.memory_space<vmem>> -> memref<128xi32, #tpu.memory_space<vmem>>
    %dma_start3A_59 = arith.constant 0 : i32
    %dma_start3A_60 = arith.constant 0 : i32
    %dma_start3A_61 = tpu.memref_slice %arg4[%dma_start3A_59, %dma_start3A_60] : memref<10240x128xf32, #tpu.memory_space<hbm>> -> memref<10240x128xf32, #tpu.memory_space<hbm>>
    tpu.enqueue_indirect_dma source(%dma_start3A_61 : memref<10240x128xf32, #tpu.memory_space<hbm>>) target(%arg9 : memref<128x128xf32, #tpu.memory_space<vmem>>) offsets(%dma_start3A_58 : memref<128xi32, #tpu.memory_space<vmem>>) semaphore(%arg12 : memref<!tpu.dma_semaphore, #tpu.memory_space<semaphore_mem>>)
    %scan3A_62 = arith.constant 0 : i32
    %scan3A_63 = arith.constant 0 : i32
    %scan3A_64 = arith.constant 20 : i32
    %scan3A_65 = arith.addi %scan3A_63, %scan3A_64 : i32
    %scan3A_66 = arith.constant 1 : i32
    %scan3A_67 = scf.for %scan3A_74 = %scan3A_63 to %scan3A_65 step %scan3A_66 iter_args(%scan3A_75 = %scan3A_62) -> (i32)  : i32 {
      %mul3A_76 = arith.constant 2 : i32
      %mul3A_77 = arith.muli %mul3A_76, %scan3A_74 : i32
      %mul3A_78 = arith.constant 2 : i32
      %mul3A_79 = arith.muli %mul3A_78, %scan3A_74 : i32
      %add3A_80 = arith.constant 1 : i32
      %add3A_81 = arith.addi %mul3A_79, %add3A_80 : i32
      %dma_wait3A = arith.constant 0 : i32
      %dma_wait3A_82 = tpu.memref_slice %arg6[%mul3A_77, %dma_wait3A] : memref<40x128xi32, #tpu.memory_space<vmem>> -> memref<1x128xi32, #tpu.memory_space<vmem>>
      %dma_wait3A_83 = tpu.memref_squeeze %dma_wait3A_82 : memref<1x128xi32, #tpu.memory_space<vmem>> -> memref<128xi32, #tpu.memory_space<vmem>>
      %dma_wait3A_84 = arith.constant 0 : i32
      %dma_wait3A_85 = arith.constant 0 : i32
      %dma_wait3A_86 = tpu.memref_slice %arg4[%dma_wait3A_84, %dma_wait3A_85] : memref<10240x128xf32, #tpu.memory_space<hbm>> -> memref<10240x128xf32, #tpu.memory_space<hbm>>
      tpu.wait_indirect_dma semaphore(%arg11 : memref<!tpu.dma_semaphore, #tpu.memory_space<semaphore_mem>>) src(%dma_wait3A_86 : memref<10240x128xf32, #tpu.memory_space<hbm>>) dst(%arg8 : memref<128x128xf32, #tpu.memory_space<vmem>>)
      "tpu.region"() ({
        %run_scoped3A = tpu.sem_alloc : memref<!tpu.dma_semaphore, #tpu.memory_space<semaphore_mem>>
        %dma_start3A_105 = arith.constant 0 : i32
        %dma_start3A_106 = tpu.memref_slice %arg7[%mul3A_77, %dma_start3A_105] : memref<40x128xi32, #tpu.memory_space<vmem>> -> memref<1x128xi32, #tpu.memory_space<vmem>>
        %dma_start3A_107 = tpu.memref_squeeze %dma_start3A_106 : memref<1x128xi32, #tpu.memory_space<vmem>> -> memref<128xi32, #tpu.memory_space<vmem>>
        %dma_start3A_108 = arith.constant 0 : i32
        %dma_start3A_109 = arith.constant 0 : i32
        %dma_start3A_110 = tpu.memref_slice %arg10[%dma_start3A_108, %dma_start3A_109] : memref<10240x128xf32, #tpu.memory_space<vmem_shared>> -> memref<10240x128xf32, #tpu.memory_space<vmem_shared>>
        tpu.enqueue_indirect_dma source(%arg8 : memref<128x128xf32, #tpu.memory_space<vmem>>) target(%dma_start3A_110 : memref<10240x128xf32, #tpu.memory_space<vmem_shared>>) offsets(%dma_start3A_107 : memref<128xi32, #tpu.memory_space<vmem>>) semaphore(%run_scoped3A : memref<!tpu.dma_semaphore, #tpu.memory_space<semaphore_mem>>) {add = true}
        %dma_wait3A_111 = arith.constant 0 : i32
        %dma_wait3A_112 = tpu.memref_slice %arg7[%mul3A_77, %dma_wait3A_111] : memref<40x128xi32, #tpu.memory_space<vmem>> -> memref<1x128xi32, #tpu.memory_space<vmem>>
        %dma_wait3A_113 = tpu.memref_squeeze %dma_wait3A_112 : memref<1x128xi32, #tpu.memory_space<vmem>> -> memref<128xi32, #tpu.memory_space<vmem>>
        %dma_wait3A_114 = arith.constant 0 : i32
        %dma_wait3A_115 = arith.constant 0 : i32
        %dma_wait3A_116 = tpu.memref_slice %arg10[%dma_wait3A_114, %dma_wait3A_115] : memref<10240x128xf32, #tpu.memory_space<vmem_shared>> -> memref<10240x128xf32, #tpu.memory_space<vmem_shared>>
        tpu.wait_indirect_dma semaphore(%run_scoped3A : memref<!tpu.dma_semaphore, #tpu.memory_space<semaphore_mem>>) src(%arg8 : memref<128x128xf32, #tpu.memory_space<vmem>>) dst(%dma_wait3A_116 : memref<10240x128xf32, #tpu.memory_space<vmem_shared>>)
        tpu.yield
      }) : () -> ()
      %add3A_87 = arith.constant 2 : i32
      %add3A_88 = arith.addi %mul3A_77, %add3A_87 : i32
      %lt3A = arith.constant 40 : i32
      %lt3A_89 = arith.cmpi slt, %add3A_88, %lt3A : i32
      %convert_element_type3A = arith.extui %lt3A_89 : i1 to i32
      %cond3A = arith.constant 0 : i32
      %cond3A_90 = arith.cmpi ne, %convert_element_type3A, %cond3A : i32
      scf.if %cond3A_90 {
        %add3A_105 = arith.constant 2 : i32
        %add3A_106 = arith.addi %mul3A_77, %add3A_105 : i32
        %dma_start3A_107 = arith.constant 0 : i32
        %dma_start3A_108 = tpu.memref_slice %arg6[%add3A_106, %dma_start3A_107] : memref<40x128xi32, #tpu.memory_space<vmem>> -> memref<1x128xi32, #tpu.memory_space<vmem>>
        %dma_start3A_109 = tpu.memref_squeeze %dma_start3A_108 : memref<1x128xi32, #tpu.memory_space<vmem>> -> memref<128xi32, #tpu.memory_space<vmem>>
        %dma_start3A_110 = arith.constant 0 : i32
        %dma_start3A_111 = arith.constant 0 : i32
        %dma_start3A_112 = tpu.memref_slice %arg4[%dma_start3A_110, %dma_start3A_111] : memref<10240x128xf32, #tpu.memory_space<hbm>> -> memref<10240x128xf32, #tpu.memory_space<hbm>>
        tpu.enqueue_indirect_dma source(%dma_start3A_112 : memref<10240x128xf32, #tpu.memory_space<hbm>>) target(%arg8 : memref<128x128xf32, #tpu.memory_space<vmem>>) offsets(%dma_start3A_109 : memref<128xi32, #tpu.memory_space<vmem>>) semaphore(%arg11 : memref<!tpu.dma_semaphore, #tpu.memory_space<semaphore_mem>>)
      } else {
      }
      %dma_wait3A_91 = arith.constant 0 : i32
      %dma_wait3A_92 = tpu.memref_slice %arg6[%add3A_81, %dma_wait3A_91] : memref<40x128xi32, #tpu.memory_space<vmem>> -> memref<1x128xi32, #tpu.memory_space<vmem>>
      %dma_wait3A_93 = tpu.memref_squeeze %dma_wait3A_92 : memref<1x128xi32, #tpu.memory_space<vmem>> -> memref<128xi32, #tpu.memory_space<vmem>>
      %dma_wait3A_94 = arith.constant 0 : i32
      %dma_wait3A_95 = arith.constant 0 : i32
      %dma_wait3A_96 = tpu.memref_slice %arg4[%dma_wait3A_94, %dma_wait3A_95] : memref<10240x128xf32, #tpu.memory_space<hbm>> -> memref<10240x128xf32, #tpu.memory_space<hbm>>
      tpu.wait_indirect_dma semaphore(%arg12 : memref<!tpu.dma_semaphore, #tpu.memory_space<semaphore_mem>>) src(%dma_wait3A_96 : memref<10240x128xf32, #tpu.memory_space<hbm>>) dst(%arg9 : memref<128x128xf32, #tpu.memory_space<vmem>>)
      "tpu.region"() ({
        %run_scoped3A = tpu.sem_alloc : memref<!tpu.dma_semaphore, #tpu.memory_space<semaphore_mem>>
        %dma_start3A_105 = arith.constant 0 : i32
        %dma_start3A_106 = tpu.memref_slice %arg7[%add3A_81, %dma_start3A_105] : memref<40x128xi32, #tpu.memory_space<vmem>> -> memref<1x128xi32, #tpu.memory_space<vmem>>
        %dma_start3A_107 = tpu.memref_squeeze %dma_start3A_106 : memref<1x128xi32, #tpu.memory_space<vmem>> -> memref<128xi32, #tpu.memory_space<vmem>>
        %dma_start3A_108 = arith.constant 0 : i32
        %dma_start3A_109 = arith.constant 0 : i32
        %dma_start3A_110 = tpu.memref_slice %arg10[%dma_start3A_108, %dma_start3A_109] : memref<10240x128xf32, #tpu.memory_space<vmem_shared>> -> memref<10240x128xf32, #tpu.memory_space<vmem_shared>>
        tpu.enqueue_indirect_dma source(%arg9 : memref<128x128xf32, #tpu.memory_space<vmem>>) target(%dma_start3A_110 : memref<10240x128xf32, #tpu.memory_space<vmem_shared>>) offsets(%dma_start3A_107 : memref<128xi32, #tpu.memory_space<vmem>>) semaphore(%run_scoped3A : memref<!tpu.dma_semaphore, #tpu.memory_space<semaphore_mem>>) {add = true}
        %dma_wait3A_111 = arith.constant 0 : i32
        %dma_wait3A_112 = tpu.memref_slice %arg7[%add3A_81, %dma_wait3A_111] : memref<40x128xi32, #tpu.memory_space<vmem>> -> memref<1x128xi32, #tpu.memory_space<vmem>>
        %dma_wait3A_113 = tpu.memref_squeeze %dma_wait3A_112 : memref<1x128xi32, #tpu.memory_space<vmem>> -> memref<128xi32, #tpu.memory_space<vmem>>
        %dma_wait3A_114 = arith.constant 0 : i32
        %dma_wait3A_115 = arith.constant 0 : i32
        %dma_wait3A_116 = tpu.memref_slice %arg10[%dma_wait3A_114, %dma_wait3A_115] : memref<10240x128xf32, #tpu.memory_space<vmem_shared>> -> memref<10240x128xf32, #tpu.memory_space<vmem_shared>>
        tpu.wait_indirect_dma semaphore(%run_scoped3A : memref<!tpu.dma_semaphore, #tpu.memory_space<semaphore_mem>>) src(%arg9 : memref<128x128xf32, #tpu.memory_space<vmem>>) dst(%dma_wait3A_116 : memref<10240x128xf32, #tpu.memory_space<vmem_shared>>)
        tpu.yield
      }) : () -> ()
      %add3A_97 = arith.constant 2 : i32
      %add3A_98 = arith.addi %add3A_81, %add3A_97 : i32
      %lt3A_99 = arith.constant 40 : i32
      %lt3A_100 = arith.cmpi slt, %add3A_98, %lt3A_99 : i32
      %convert_element_type3A_101 = arith.extui %lt3A_100 : i1 to i32
      %cond3A_102 = arith.constant 0 : i32
      %cond3A_103 = arith.cmpi ne, %convert_element_type3A_101, %cond3A_102 : i32
      scf.if %cond3A_103 {
        %add3A_105 = arith.constant 2 : i32
        %add3A_106 = arith.addi %add3A_81, %add3A_105 : i32
        %dma_start3A_107 = arith.constant 0 : i32
        %dma_start3A_108 = tpu.memref_slice %arg6[%add3A_106, %dma_start3A_107] : memref<40x128xi32, #tpu.memory_space<vmem>> -> memref<1x128xi32, #tpu.memory_space<vmem>>
        %dma_start3A_109 = tpu.memref_squeeze %dma_start3A_108 : memref<1x128xi32, #tpu.memory_space<vmem>> -> memref<128xi32, #tpu.memory_space<vmem>>
        %dma_start3A_110 = arith.constant 0 : i32
        %dma_start3A_111 = arith.constant 0 : i32
        %dma_start3A_112 = tpu.memref_slice %arg4[%dma_start3A_110, %dma_start3A_111] : memref<10240x128xf32, #tpu.memory_space<hbm>> -> memref<10240x128xf32, #tpu.memory_space<hbm>>
        tpu.enqueue_indirect_dma source(%dma_start3A_112 : memref<10240x128xf32, #tpu.memory_space<hbm>>) target(%arg9 : memref<128x128xf32, #tpu.memory_space<vmem>>) offsets(%dma_start3A_109 : memref<128xi32, #tpu.memory_space<vmem>>) semaphore(%arg12 : memref<!tpu.dma_semaphore, #tpu.memory_space<semaphore_mem>>)
      } else {
      }
      %scan3A_104 = arith.constant 0 : i32
      scf.yield %scan3A_104 : i32
    }
    %scan3A_68 = arith.constant 20 : i32
    %barrier3A_69 = arith.constant 0 : index
    tpu.barrier barrier_id(%barrier3A_69)
    %mul3A_70 = arith.constant 640 : i32
    %mul3A_71 = arith.muli %arg1, %mul3A_70 : i32
    %mul3A_72 = arith.constant 640 : i32
    %mul3A_73 = arith.muli %arg1, %mul3A_72 : i32
    "tpu.region"() ({
      %run_scoped3A = tpu.sem_alloc : memref<!tpu.dma_semaphore, #tpu.memory_space<semaphore_mem>>
      %dma_start3A_74 = arith.constant 0 : i32
      %dma_start3A_75 = tpu.memref_slice %arg5[%arg0, %mul3A_73, %dma_start3A_74] : memref<2x10240x128xf32, #tpu.memory_space<hbm>> -> memref<1x640x128xf32, #tpu.memory_space<hbm>>
      %dma_start3A_76 = tpu.memref_squeeze %dma_start3A_75 : memref<1x640x128xf32, #tpu.memory_space<hbm>> -> memref<640x128xf32, #tpu.memory_space<hbm>>
      %dma_start3A_77 = arith.constant 0 : i32
      %dma_start3A_78 = tpu.memref_slice %arg10[%mul3A_71, %dma_start3A_77] : memref<10240x128xf32, #tpu.memory_space<vmem_shared>> -> memref<640x128xf32, #tpu.memory_space<vmem_shared>>
      tpu.enqueue_dma source(%dma_start3A_78 : memref<640x128xf32, #tpu.memory_space<vmem_shared>>) target(%dma_start3A_76 : memref<640x128xf32, #tpu.memory_space<hbm>>) target_semaphore(%run_scoped3A : memref<!tpu.dma_semaphore, #tpu.memory_space<semaphore_mem>>)
      %dma_wait3A = arith.constant 0 : i32
      %dma_wait3A_79 = tpu.memref_slice %arg5[%arg0, %mul3A_73, %dma_wait3A] : memref<2x10240x128xf32, #tpu.memory_space<hbm>> -> memref<1x640x128xf32, #tpu.memory_space<hbm>>
      %dma_wait3A_80 = tpu.memref_squeeze %dma_wait3A_79 : memref<1x640x128xf32, #tpu.memory_space<hbm>> -> memref<640x128xf32, #tpu.memory_space<hbm>>
      %dma_wait3A_81 = arith.constant 0 : i32
      %dma_wait3A_82 = tpu.memref_slice %arg10[%mul3A_71, %dma_wait3A_81] : memref<10240x128xf32, #tpu.memory_space<vmem_shared>> -> memref<640x128xf32, #tpu.memory_space<vmem_shared>>
      tpu.wait_dma2 semaphore(%run_scoped3A : memref<!tpu.dma_semaphore, #tpu.memory_space<semaphore_mem>>) src(%dma_wait3A_82 : memref<640x128xf32, #tpu.memory_space<vmem_shared>>) dst(%dma_wait3A_80 : memref<640x128xf32, #tpu.memory_space<hbm>>)
      tpu.yield
    }) : () -> ()
    return
  }
}

module attributes {stable_mosaic.version = 14 : i64} {
  func.func @_tc1_body(%arg0: i32, %arg1: memref<1280x128xf32, #tpu.memory_space<vmem>>, %arg2: memref<1280x128xf32, #tpu.memory_space<vmem>>, %arg3: memref<1280x128xf32, #tpu.memory_space<vmem>>, %arg4: memref<128x128xf32, #tpu.memory_space<vmem>>, %arg5: memref<1280x128xf32, #tpu.memory_space<vmem>>, %arg6: memref<1280x128xf32, #tpu.memory_space<vmem>>) attributes {dimension_semantics = [#tpu.dimension_semantics<arbitrary>], iteration_bounds = array<i64: 8>, scalar_prefetch = 0 : i64, scratch_operands = 0 : i64, tpu.core_type = #tpu.core_type<tc>, window_params = [{transform_indices = @transform_0, window_bounds = array<i64: 1280, 128>}, {transform_indices = @transform_1, window_bounds = array<i64: 1280, 128>}, {transform_indices = @transform_2, window_bounds = array<i64: 1280, 128>}, {pipeline_mode = #tpu.pipeline_mode<synchronous>, transform_indices = @transform_3, window_bounds = array<i64: 128, 128>}, {transform_indices = @transform_4, window_bounds = array<i64: 1280, 128>}, {transform_indices = @transform_5, window_bounds = array<i64: 1280, 128>}]} {
    %get3A = arith.constant 0 : index
    %get3A_0 = arith.constant 0 : index
    %get3A_1 = vector.load %arg2[%get3A, %get3A_0] : memref<1280x128xf32, #tpu.memory_space<vmem>>, vector<1280x128xf32>
    %get3A_2 = arith.constant 0 : index
    %get3A_3 = arith.constant 0 : index
    %get3A_4 = vector.load %arg3[%get3A_2, %get3A_3] : memref<1280x128xf32, #tpu.memory_space<vmem>>, vector<1280x128xf32>
    %slice3A = vector.extract_strided_slice %get3A_1 {offsets = [0, 0], sizes = [1280, 1], strides = [1, 1]} : vector<1280x128xf32> to vector<1280x1xf32>
    %slice3A_5 = vector.extract_strided_slice %get3A_4 {offsets = [0, 0], sizes = [1280, 1], strides = [1, 1]} : vector<1280x128xf32> to vector<1280x1xf32>
    %add3A = arith.addf %slice3A, %slice3A_5 : vector<1280x1xf32>
    %gt3A = arith.constant 0.000000e+00 : f32
    %gt3A_6 = vector.broadcast %gt3A : f32 to vector<1280x1xf32>
    %gt3A_7 = arith.cmpf ogt, %add3A, %gt3A_6 : vector<1280x1xf32>
    %max3A = arith.constant 9.99999996E-13 : f32
    %max3A_8 = vector.broadcast %max3A : f32 to vector<1280x1xf32>
    %max3A_9 = arith.maximumf %add3A, %max3A_8 : vector<1280x1xf32>
    %rsqrt3A = math.rsqrt %max3A_9 : vector<1280x1xf32>
    %jit3A = arith.constant 0.000000e+00 : f32
    %broadcast_in_dim3A = vector.broadcast %jit3A : f32 to vector<1280x1xf32>
    %select_n3A = arith.select %gt3A_7, %rsqrt3A, %broadcast_in_dim3A : vector<1280x1xi1>, vector<1280x1xf32>
    %get3A_10 = arith.constant 0 : index
    %get3A_11 = arith.constant 0 : index
    %get3A_12 = vector.load %arg1[%get3A_10, %get3A_11] : memref<1280x128xf32, #tpu.memory_space<vmem>>, vector<1280x128xf32>
    %mul3A = vector.broadcast %select_n3A : vector<1280x1xf32> to vector<1280x128xf32>
    %mul3A_13 = arith.mulf %mul3A, %get3A_12 : vector<1280x128xf32>
    %swap3A = arith.constant 0 : index
    %swap3A_14 = arith.constant 0 : index
    %swap3A_15 = vector.load %arg5[%swap3A, %swap3A_14] : memref<1280x128xf32, #tpu.memory_space<vmem>>, vector<1280x128xf32>
    tpu.vector_store %arg5[%swap3A, %swap3A_14], %mul3A_13 {strides = array<i32>} : memref<1280x128xf32, #tpu.memory_space<vmem>>, vector<1280x128xf32>,
    %get3A_16 = arith.constant 0 : index
    %get3A_17 = arith.constant 0 : index
    %get3A_18 = vector.load %arg4[%get3A_16, %get3A_17] : memref<128x128xf32, #tpu.memory_space<vmem>>, vector<128x128xf32>
    %dot_general3A = arith.constant dense<0.000000e+00> : vector<1280x128xf32>
    %dot_general3A_19 = tpu.matmul %get3A_12, %get3A_18, %dot_general3A {dimension_numbers = #tpu.dot_dimension_numbers<[1], [0], [0], [1], [0, 0, 1, 1], [], []>, transpose_lhs_hint = false} : vector<1280x128xf32>, vector<128x128xf32>, vector<1280x128xf32> -> vector<1280x128xf32>
    %swap3A_20 = arith.constant 0 : index
    %swap3A_21 = arith.constant 0 : index
    %swap3A_22 = vector.load %arg6[%swap3A_20, %swap3A_21] : memref<1280x128xf32, #tpu.memory_space<vmem>>, vector<1280x128xf32>
    tpu.vector_store %arg6[%swap3A_20, %swap3A_21], %dot_general3A_19 {strides = array<i32>} : memref<1280x128xf32, #tpu.memory_space<vmem>>, vector<1280x128xf32>,
    return
  }
  func.func @transform_0(%arg0: i32) -> (i32, i32) {
    %c0_i32 = arith.constant 0 : i32
    %c0_i32_0 = arith.constant 0 : i32
    return %arg0, %c0_i32 : i32, i32
  }
  func.func @transform_1(%arg0: i32) -> (i32, i32) {
    %c0_i32 = arith.constant 0 : i32
    %c0_i32_0 = arith.constant 0 : i32
    return %arg0, %c0_i32 : i32, i32
  }
  func.func @transform_2(%arg0: i32) -> (i32, i32) {
    %c0_i32 = arith.constant 0 : i32
    %c0_i32_0 = arith.constant 0 : i32
    return %arg0, %c0_i32 : i32, i32
  }
  func.func @transform_3(%arg0: i32) -> (i32, i32) {
    %c0_i32 = arith.constant 0 : i32
    %c0_i32_0 = arith.constant 0 : i32
    %c0_i32_1 = arith.constant 0 : i32
    return %c0_i32, %c0_i32_0 : i32, i32
  }
  func.func @transform_4(%arg0: i32) -> (i32, i32) {
    %c0_i32 = arith.constant 0 : i32
    %c0_i32_0 = arith.constant 0 : i32
    return %arg0, %c0_i32 : i32, i32
  }
  func.func @transform_5(%arg0: i32) -> (i32, i32) {
    %c0_i32 = arith.constant 0 : i32
    %c0_i32_0 = arith.constant 0 : i32
    return %arg0, %c0_i32 : i32, i32
  }
}

module attributes {stable_mosaic.version = 14 : i64} {
  func.func @_tc2_body(%arg0: i32, %arg1: memref<1280x128xf32, #tpu.memory_space<vmem>>, %arg2: memref<1280x128xf32, #tpu.memory_space<vmem>>, %arg3: memref<1280x128xf32, #tpu.memory_space<vmem>>, %arg4: memref<1280x128xf32, #tpu.memory_space<vmem>>, %arg5: memref<128x128xf32, #tpu.memory_space<vmem>>, %arg6: memref<1280x128xf32, #tpu.memory_space<vmem>>, %arg7: memref<1280x128xf32, #tpu.memory_space<vmem>>, %arg8: memref<1280x128xf32, #tpu.memory_space<vmem>>) attributes {dimension_semantics = [#tpu.dimension_semantics<arbitrary>], iteration_bounds = array<i64: 8>, scalar_prefetch = 0 : i64, scratch_operands = 0 : i64, tpu.core_type = #tpu.core_type<tc>, window_params = [{transform_indices = @transform_0, window_bounds = array<i64: 1280, 128>}, {transform_indices = @transform_1, window_bounds = array<i64: 1280, 128>}, {transform_indices = @transform_2, window_bounds = array<i64: 1280, 128>}, {transform_indices = @transform_3, window_bounds = array<i64: 1280, 128>}, {pipeline_mode = #tpu.pipeline_mode<synchronous>, transform_indices = @transform_4, window_bounds = array<i64: 128, 128>}, {transform_indices = @transform_5, window_bounds = array<i64: 1280, 128>}, {transform_indices = @transform_6, window_bounds = array<i64: 1280, 128>}, {transform_indices = @transform_7, window_bounds = array<i64: 1280, 128>}]} {
    %get3A = arith.constant 0 : index
    %get3A_0 = arith.constant 0 : index
    %get3A_1 = vector.load %arg1[%get3A, %get3A_0] : memref<1280x128xf32, #tpu.memory_space<vmem>>, vector<1280x128xf32>
    %get3A_2 = arith.constant 0 : index
    %get3A_3 = arith.constant 0 : index
    %get3A_4 = vector.load %arg2[%get3A_2, %get3A_3] : memref<1280x128xf32, #tpu.memory_space<vmem>>, vector<1280x128xf32>
    %add3A = arith.addf %get3A_1, %get3A_4 : vector<1280x128xf32>
    %get3A_5 = arith.constant 0 : index
    %get3A_6 = arith.constant 0 : index
    %get3A_7 = vector.load %arg3[%get3A_5, %get3A_6] : memref<1280x128xf32, #tpu.memory_space<vmem>>, vector<1280x128xf32>
    %get3A_8 = arith.constant 0 : index
    %get3A_9 = arith.constant 0 : index
    %get3A_10 = vector.load %arg4[%get3A_8, %get3A_9] : memref<1280x128xf32, #tpu.memory_space<vmem>>, vector<1280x128xf32>
    %slice3A = vector.extract_strided_slice %get3A_7 {offsets = [0, 0], sizes = [1280, 1], strides = [1, 1]} : vector<1280x128xf32> to vector<1280x1xf32>
    %slice3A_11 = vector.extract_strided_slice %get3A_10 {offsets = [0, 0], sizes = [1280, 1], strides = [1, 1]} : vector<1280x128xf32> to vector<1280x1xf32>
    %add3A_12 = arith.addf %slice3A, %slice3A_11 : vector<1280x1xf32>
    %gt3A = arith.constant 0.000000e+00 : f32
    %gt3A_13 = vector.broadcast %gt3A : f32 to vector<1280x1xf32>
    %gt3A_14 = arith.cmpf ogt, %add3A_12, %gt3A_13 : vector<1280x1xf32>
    %max3A = arith.constant 9.99999996E-13 : f32
    %max3A_15 = vector.broadcast %max3A : f32 to vector<1280x1xf32>
    %max3A_16 = arith.maximumf %add3A_12, %max3A_15 : vector<1280x1xf32>
    %rsqrt3A = math.rsqrt %max3A_16 : vector<1280x1xf32>
    %jit3A = arith.constant 0.000000e+00 : f32
    %broadcast_in_dim3A = vector.broadcast %jit3A : f32 to vector<1280x1xf32>
    %select_n3A = arith.select %gt3A_14, %rsqrt3A, %broadcast_in_dim3A : vector<1280x1xi1>, vector<1280x1xf32>
    %gt3A_17 = arith.constant 0.000000e+00 : f32
    %gt3A_18 = vector.broadcast %gt3A_17 : f32 to vector<1280x1xf32>
    %gt3A_19 = arith.cmpf ogt, %add3A_12, %gt3A_18 : vector<1280x1xf32>
    %max3A_20 = arith.constant 9.99999996E-13 : f32
    %max3A_21 = vector.broadcast %max3A_20 : f32 to vector<1280x1xf32>
    %max3A_22 = arith.maximumf %add3A_12, %max3A_21 : vector<1280x1xf32>
    %div3A = vector.broadcast %max3A_22 : vector<1280x1xf32> to vector<1280x128xf32>
    %div3A_23 = arith.divf %add3A, %div3A : vector<1280x128xf32>
    %neg3A = arith.constant 0.000000e+00 : f32
    %neg3A_24 = vector.broadcast %neg3A : f32 to vector<1280x128xf32>
    %neg3A_25 = arith.subf %neg3A_24, %div3A_23 : vector<1280x128xf32>
    %jit3A_26 = arith.constant 0.000000e+00 : f32
    %broadcast_in_dim3A_27 = vector.shape_cast %gt3A_19 : vector<1280x1xi1> to vector<1280x1xi1>
    %broadcast_in_dim3A_28 = vector.broadcast %broadcast_in_dim3A_27 : vector<1280x1xi1> to vector<1280x128xi1>
    %broadcast_in_dim3A_29 = vector.broadcast %jit3A_26 : f32 to vector<1280x128xf32>
    %select_n3A_30 = arith.select %broadcast_in_dim3A_28, %neg3A_25, %broadcast_in_dim3A_29 : vector<1280x128xi1>, vector<1280x128xf32>
    %swap3A = arith.constant 0 : index
    %swap3A_31 = arith.constant 0 : index
    %swap3A_32 = vector.load %arg7[%swap3A, %swap3A_31] : memref<1280x128xf32, #tpu.memory_space<vmem>>, vector<1280x128xf32>
    tpu.vector_store %arg7[%swap3A, %swap3A_31], %select_n3A_30 {strides = array<i32>} : memref<1280x128xf32, #tpu.memory_space<vmem>>, vector<1280x128xf32>,
    %get3A_33 = arith.constant 0 : index
    %get3A_34 = arith.constant 0 : index
    %get3A_35 = vector.load %arg6[%get3A_33, %get3A_34] : memref<1280x128xf32, #tpu.memory_space<vmem>>, vector<1280x128xf32>
    %get3A_36 = arith.constant 0 : index
    %get3A_37 = arith.constant 0 : index
    %get3A_38 = vector.load %arg5[%get3A_36, %get3A_37] : memref<128x128xf32, #tpu.memory_space<vmem>>, vector<128x128xf32>
    %dot_general3A = arith.constant dense<0.000000e+00> : vector<1280x128xf32>
    %dot_general3A_39 = tpu.matmul %add3A, %get3A_38, %dot_general3A {dimension_numbers = #tpu.dot_dimension_numbers<[1], [0], [0], [1], [0, 0, 1, 1], [], []>, transpose_lhs_hint = false} : vector<1280x128xf32>, vector<128x128xf32>, vector<1280x128xf32> -> vector<1280x128xf32>
    %mul3A = vector.broadcast %select_n3A : vector<1280x1xf32> to vector<1280x128xf32>
    %mul3A_40 = arith.mulf %mul3A, %dot_general3A_39 : vector<1280x128xf32>
    %sub3A = arith.subf %get3A_35, %mul3A_40 : vector<1280x128xf32>
    %swap3A_41 = arith.constant 0 : index
    %swap3A_42 = arith.constant 0 : index
    %swap3A_43 = vector.load %arg8[%swap3A_41, %swap3A_42] : memref<1280x128xf32, #tpu.memory_space<vmem>>, vector<1280x128xf32>
    tpu.vector_store %arg8[%swap3A_41, %swap3A_42], %sub3A {strides = array<i32>} : memref<1280x128xf32, #tpu.memory_space<vmem>>, vector<1280x128xf32>,
    return
  }
  func.func @transform_0(%arg0: i32) -> (i32, i32) {
    %c0_i32 = arith.constant 0 : i32
    %c0_i32_0 = arith.constant 0 : i32
    return %arg0, %c0_i32 : i32, i32
  }
  func.func @transform_1(%arg0: i32) -> (i32, i32) {
    %c0_i32 = arith.constant 0 : i32
    %c0_i32_0 = arith.constant 0 : i32
    return %arg0, %c0_i32 : i32, i32
  }
  func.func @transform_2(%arg0: i32) -> (i32, i32) {
    %c0_i32 = arith.constant 0 : i32
    %c0_i32_0 = arith.constant 0 : i32
    return %arg0, %c0_i32 : i32, i32
  }
  func.func @transform_3(%arg0: i32) -> (i32, i32) {
    %c0_i32 = arith.constant 0 : i32
    %c0_i32_0 = arith.constant 0 : i32
    return %arg0, %c0_i32 : i32, i32
  }
  func.func @transform_4(%arg0: i32) -> (i32, i32) {
    %c0_i32 = arith.constant 0 : i32
    %c0_i32_0 = arith.constant 0 : i32
    %c0_i32_1 = arith.constant 0 : i32
    return %c0_i32, %c0_i32_0 : i32, i32
  }
  func.func @transform_5(%arg0: i32) -> (i32, i32) {
    %c0_i32 = arith.constant 0 : i32
    %c0_i32_0 = arith.constant 0 : i32
    return %arg0, %c0_i32 : i32, i32
  }
  func.func @transform_6(%arg0: i32) -> (i32, i32) {
    %c0_i32 = arith.constant 0 : i32
    %c0_i32_0 = arith.constant 0 : i32
    return %arg0, %c0_i32 : i32, i32
  }
  func.func @transform_7(%arg0: i32) -> (i32, i32) {
    %c0_i32 = arith.constant 0 : i32
    %c0_i32_0 = arith.constant 0 : i32
    return %arg0, %c0_i32 : i32, i32
  }
}

module attributes {stable_mosaic.version = 14 : i64} {
  func.func @_tc3_body(%arg0: i32, %arg1: memref<1280x128xf32, #tpu.memory_space<vmem>>, %arg2: memref<1280x128xf32, #tpu.memory_space<vmem>>, %arg3: memref<1280x128xf32, #tpu.memory_space<vmem>>, %arg4: memref<1280x128xf32, #tpu.memory_space<vmem>>, %arg5: memref<128x128xf32, #tpu.memory_space<vmem>>, %arg6: memref<1280x128xf32, #tpu.memory_space<vmem>>, %arg7: memref<1x128xf32, #tpu.memory_space<vmem>>, %arg8: memref<1280x128xf32, #tpu.memory_space<vmem>>) attributes {dimension_semantics = [#tpu.dimension_semantics<arbitrary>], iteration_bounds = array<i64: 8>, scalar_prefetch = 0 : i64, scratch_operands = 0 : i64, tpu.core_type = #tpu.core_type<tc>, window_params = [{transform_indices = @transform_0, window_bounds = array<i64: 1280, 128>}, {transform_indices = @transform_1, window_bounds = array<i64: 1280, 128>}, {transform_indices = @transform_2, window_bounds = array<i64: 1280, 128>}, {transform_indices = @transform_3, window_bounds = array<i64: 1280, 128>}, {pipeline_mode = #tpu.pipeline_mode<synchronous>, transform_indices = @transform_4, window_bounds = array<i64: 128, 128>}, {transform_indices = @transform_5, window_bounds = array<i64: 1280, 128>}, {pipeline_mode = #tpu.pipeline_mode<synchronous>, transform_indices = @transform_6, window_bounds = array<i64: 1, 128>}, {transform_indices = @transform_7, window_bounds = array<i64: 1280, 128>}]} {
    %get3A = arith.constant 0 : index
    %get3A_0 = arith.constant 0 : index
    %get3A_1 = vector.load %arg1[%get3A, %get3A_0] : memref<1280x128xf32, #tpu.memory_space<vmem>>, vector<1280x128xf32>
    %get3A_2 = arith.constant 0 : index
    %get3A_3 = arith.constant 0 : index
    %get3A_4 = vector.load %arg2[%get3A_2, %get3A_3] : memref<1280x128xf32, #tpu.memory_space<vmem>>, vector<1280x128xf32>
    %add3A = arith.addf %get3A_1, %get3A_4 : vector<1280x128xf32>
    %get3A_5 = arith.constant 0 : index
    %get3A_6 = arith.constant 0 : index
    %get3A_7 = vector.load %arg3[%get3A_5, %get3A_6] : memref<1280x128xf32, #tpu.memory_space<vmem>>, vector<1280x128xf32>
    %get3A_8 = arith.constant 0 : index
    %get3A_9 = arith.constant 0 : index
    %get3A_10 = vector.load %arg4[%get3A_8, %get3A_9] : memref<1280x128xf32, #tpu.memory_space<vmem>>, vector<1280x128xf32>
    %slice3A = vector.extract_strided_slice %get3A_7 {offsets = [0, 0], sizes = [1280, 1], strides = [1, 1]} : vector<1280x128xf32> to vector<1280x1xf32>
    %slice3A_11 = vector.extract_strided_slice %get3A_10 {offsets = [0, 0], sizes = [1280, 1], strides = [1, 1]} : vector<1280x128xf32> to vector<1280x1xf32>
    %add3A_12 = arith.addf %slice3A, %slice3A_11 : vector<1280x1xf32>
    %gt3A = arith.constant 0.000000e+00 : f32
    %gt3A_13 = vector.broadcast %gt3A : f32 to vector<1280x1xf32>
    %gt3A_14 = arith.cmpf ogt, %add3A_12, %gt3A_13 : vector<1280x1xf32>
    %max3A = arith.constant 9.99999996E-13 : f32
    %max3A_15 = vector.broadcast %max3A : f32 to vector<1280x1xf32>
    %max3A_16 = arith.maximumf %add3A_12, %max3A_15 : vector<1280x1xf32>
    %rsqrt3A = math.rsqrt %max3A_16 : vector<1280x1xf32>
    %jit3A = arith.constant 0.000000e+00 : f32
    %broadcast_in_dim3A = vector.broadcast %jit3A : f32 to vector<1280x1xf32>
    %select_n3A = arith.select %gt3A_14, %rsqrt3A, %broadcast_in_dim3A : vector<1280x1xi1>, vector<1280x1xf32>
    %get3A_17 = arith.constant 0 : index
    %get3A_18 = arith.constant 0 : index
    %get3A_19 = vector.load %arg6[%get3A_17, %get3A_18] : memref<1280x128xf32, #tpu.memory_space<vmem>>, vector<1280x128xf32>
    %mul3A = arith.constant 2.000000e+00 : f32
    %mul3A_20 = vector.broadcast %mul3A : f32 to vector<1280x1xf32>
    %mul3A_21 = arith.mulf %mul3A_20, %select_n3A : vector<1280x1xf32>
    %get3A_22 = arith.constant 0 : index
    %get3A_23 = arith.constant 0 : index
    %get3A_24 = vector.load %arg5[%get3A_22, %get3A_23] : memref<128x128xf32, #tpu.memory_space<vmem>>, vector<128x128xf32>
    %dot_general3A = arith.constant dense<0.000000e+00> : vector<1280x128xf32>
    %dot_general3A_25 = tpu.matmul %add3A, %get3A_24, %dot_general3A {dimension_numbers = #tpu.dot_dimension_numbers<[1], [0], [0], [1], [0, 0, 1, 1], [], []>, transpose_lhs_hint = false} : vector<1280x128xf32>, vector<128x128xf32>, vector<1280x128xf32> -> vector<1280x128xf32>
    %mul3A_26 = vector.broadcast %mul3A_21 : vector<1280x1xf32> to vector<1280x128xf32>
    %mul3A_27 = arith.mulf %mul3A_26, %dot_general3A_25 : vector<1280x128xf32>
    %sub3A = arith.subf %get3A_19, %mul3A_27 : vector<1280x128xf32>
    %get3A_28 = arith.constant 0 : index
    %get3A_29 = arith.constant 0 : index
    %get3A_30 = vector.load %arg7[%get3A_28, %get3A_29] : memref<1x128xf32, #tpu.memory_space<vmem>>, vector<1x128xf32>
    %add3A_31 = vector.broadcast %get3A_30 : vector<1x128xf32> to vector<1280x128xf32>
    %add3A_32 = arith.addf %sub3A, %add3A_31 : vector<1280x128xf32>
    %swap3A = arith.constant 0 : index
    %swap3A_33 = arith.constant 0 : index
    %swap3A_34 = vector.load %arg8[%swap3A, %swap3A_33] : memref<1280x128xf32, #tpu.memory_space<vmem>>, vector<1280x128xf32>
    tpu.vector_store %arg8[%swap3A, %swap3A_33], %add3A_32 {strides = array<i32>} : memref<1280x128xf32, #tpu.memory_space<vmem>>, vector<1280x128xf32>,
    return
  }
  func.func @transform_0(%arg0: i32) -> (i32, i32) {
    %c0_i32 = arith.constant 0 : i32
    %c0_i32_0 = arith.constant 0 : i32
    return %arg0, %c0_i32 : i32, i32
  }
  func.func @transform_1(%arg0: i32) -> (i32, i32) {
    %c0_i32 = arith.constant 0 : i32
    %c0_i32_0 = arith.constant 0 : i32
    return %arg0, %c0_i32 : i32, i32
  }
  func.func @transform_2(%arg0: i32) -> (i32, i32) {
    %c0_i32 = arith.constant 0 : i32
    %c0_i32_0 = arith.constant 0 : i32
    return %arg0, %c0_i32 : i32, i32
  }
  func.func @transform_3(%arg0: i32) -> (i32, i32) {
    %c0_i32 = arith.constant 0 : i32
    %c0_i32_0 = arith.constant 0 : i32
    return %arg0, %c0_i32 : i32, i32
  }
  func.func @transform_4(%arg0: i32) -> (i32, i32) {
    %c0_i32 = arith.constant 0 : i32
    %c0_i32_0 = arith.constant 0 : i32
    %c0_i32_1 = arith.constant 0 : i32
    return %c0_i32, %c0_i32_0 : i32, i32
  }
  func.func @transform_5(%arg0: i32) -> (i32, i32) {
    %c0_i32 = arith.constant 0 : i32
    %c0_i32_0 = arith.constant 0 : i32
    return %arg0, %c0_i32 : i32, i32
  }
  func.func @transform_6(%arg0: i32) -> (i32, i32) {
    %c0_i32 = arith.constant 0 : i32
    %c0_i32_0 = arith.constant 0 : i32
    %c0_i32_1 = arith.constant 0 : i32
    return %c0_i32, %c0_i32_0 : i32, i32
  }
  func.func @transform_7(%arg0: i32) -> (i32, i32) {
    %c0_i32 = arith.constant 0 : i32
    %c0_i32_0 = arith.constant 0 : i32
    return %arg0, %c0_i32 : i32, i32
  }
}

</mosaic_0001>

<sc_bundles>
// kernel: kernel.11.cloned.1.call-start
scs
__scs_entry_jumppad:
0x0: {  	(pc) =	sbr.rel $0x88, $3  }
0x1: {  	(tag) =	ssettag $0x0;
	lr =	simm.s32 $0x1  }
0x2: {  	[smem:$0x3F9D] =	sst lr;
	_ =	strace $0xD0000000  }
0x3: {  	_ = 	snop  }
0x4: {  	_ = 	snop  }
0x5: {  	_ = 	snop  }
0x6: {  	_ = 	snop  }
0x7: {  	_ = 	snop  }
__scs_overlays_trampoline_lowered:
0x8: {  	[smem:$0x3FAC] =	sst s0  }
0x9: {  	[smem:$0x3FAD] =	sst s1  }
0xa: {  	[smem:$0x3FAE] =	sst s2  }
0xb: {  	[smem:$0x3FAF] =	sst s3  }
0xc: {  	[smem:$0x3FB0] =	sst s4  }
0xd: {  	[smem:$0x3FB1] =	sst s5  }
0xe: {  	[smem:$0x3FB2] =	sst s6  }
0xf: {  	[smem:$0x3FB3] =	sst s7  }
0x10: {  	[smem:$0x3FB4] =	sst s8  }
0x11: {  	[smem:$0x3FB5] =	sst s9;
	s0 =	simm.s32 @!p0 $0x0  }
0x12: {  	s1 =	sld [smem:$0x3F9B];
	s0 =	simm.s32 @p0 $0x1  }
0x13: {  	[smem:$0x3FB6] =	sst s0;
	s0 =	simm.s32 @!p1 $0x0  }
0x14: {  	s2 =	sld [smem:$0x3F9A];
	s0 =	simm.s32 @p1 $0x1  }
0x15: {  	[smem:$0x3FB7] =	sst s0;
	s0 =	simm.s32 @!p2 $0x0  }
0x16: {  	s3 =	sld [smem:$0x3FDB];
	s0 =	simm.s32 @p2 $0x1  }
0x17: {  	s4 =	simm.s32 $0x1BF5;
	[smem:$0x3FB9] =	sst s0  }
0x18: {  	s0 =	sld [smem:$0x3F9C];
	_ =	swait.ge [sflag:s4], $0x0  }
0x19: {  	s7 =	sld [smem:$0x3F9D]  }
0x1a: {  	s8 =	sadd.s32 $0xFFFFE003, lr  }
0x1b: {  	s9 =	sadd.s32 $0xFFFFFEF7, lr;
	s5 =	simm.s32 $0xFFFFFFFF;
	p2 =	slt.u32 s8, $0xFFFFF086  }
0x1c: {  	p1 =	slt.u32 s9, $0xF7A;
	s5 =	simm.s32 @!p2 $0x0  }
0x1d: {  	s5 =	simm.s32 @p1 $0x1;
	p0 =	seq.s32 s7, s2  }
0x1e: {  	s7 =	smul.u32 @!p0 $0xF7A, s2;
	p2 =	seq.s32 @!p0 s5, $0x0  }
0x1f: {  	s9 =	smul.u32 $0xF7A, s1;
	s8 =	simm.s32 @!p0 $0x1BF5;
	p2 =	por !p2, p0  }
0x20: {  	[sflag:s8] =	ssyncset.s32 @!p0 $0xFFFFF086;
	s6 =	sadd.s32 @!p0 s3, s7;
	s7 =	simm.s32 @!p0 $0x108  }
0x21: {  	s3 =	sadd.s32 s3, s9;
	s6 =	sadd.s32 @!p0 $0x88, s6;
	s7 =	simm.s32 @p2 $0x1082  }
0x22: {  	[simem:s7], [sflag:s8] =	dma.local @!p0 [hbm:s6], $0xF7A  }
0x23: {  	s9 =	sor.u32 $0xD0000000, s2;
	s6 =	simm.s32 $0x108;
	_ =	swait.ge @!p0 [sflag:s8], $0x0  }
0x24: {  	s3 =	sadd.s32 $0x88, s3;
	s6 =	simm.s32 @!p1 $0x1082;
	[sflag:s4] =	ssyncset.s32 $0xFFFFF086  }
0x25: {  	[simem:s6], [sflag:s4] =	dma.local [hbm:s3], $0xF7A  }
0x26: {  	[smem:$0x3F9D] =	sst s1;
	(tag) =	ssettag s2;
	_ =	strace s9  }
0x27: {  	s1 =	sld [smem:$0x3FAD]  }
0x28: {  	s2 =	sld [smem:$0x3FAE]  }
0x29: {  	s4 =	sld [smem:$0x3FB0]  }
0x2a: {  	p0 =	seq.s32 s5, $0x0;
	s5 =	sld [smem:$0x3FB1]  }
0x2b: {  	s6 =	sld [smem:$0x3FB2]  }
0x2c: {  	s7 =	sld [smem:$0x3FB3]  }
0x2d: {  	s3 =	simm.s32 $0x108;
	s8 =	sld [smem:$0x3FB4]  }
0x2e: {  	s3 =	simm.s32 @!p0 $0x1082;
	s9 =	sld [smem:$0x3FB5]  }
0x2f: {  	lr =	sadd.s32 s0, s3;
	s0 =	sld [smem:$0x3FAC]  }
0x30: {  	s3 =	sld [smem:$0x3FAF]  }
0x31: {  	[smem:$0x3FB8] =	sst s10  }
0x32: {  	s10 =	sld [smem:$0x3FB6];
	_ =	sdelay $0x3  }
0x33: {  	p0 =	seq.s32 s10, $0x1;
	s10 =	sld [smem:$0x3FB8];
	_ =	sdelay $0x3  }
0x34: {  	[smem:$0x3FB8] =	sst s10  }
0x35: {  	s10 =	sld [smem:$0x3FB7];
	_ =	sdelay $0x3  }
0x36: {  	p1 =	seq.s32 s10, $0x1;
	s10 =	sld [smem:$0x3FB8];
	_ =	sdelay $0x3  }
0x37: {  	[smem:$0x3FB8] =	sst s10  }
0x38: {  	s10 =	sld [smem:$0x3FB9]  }
0x39: {  	_ = 	snop;
	(pc) =	sbr.ind lr, $3  }
0x3a: {  	_ = 	snop  }
0x3b: {  	_ = 	snop  }
0x3c: {  	p2 =	seq.s32 s10, $0x1;
	s10 =	sld [smem:$0x3FB8]  }
0x3d: {  	_ =	shalt  }
0x3e: {  	_ =	shalt  }
0x3f: {  	_ =	shalt  }
0x40: {  	_ =	shalt  }
0x41: {  	_ =	shalt  }
0x42: {  	_ =	shalt  }
0x43: {  	_ =	shalt  }
0x44: {  	_ =	shalt  }
0x45: {  	_ =	shalt  }
0x46: {  	_ =	shalt  }
0x47: {  	_ =	shalt  }
0x48: {  	_ =	shalt  }
0x49: {  	_ =	shalt  }
0x4a: {  	_ =	shalt  }
0x4b: {  	_ =	shalt  }
0x4c: {  	_ =	shalt  }
0x4d: {  	_ =	shalt  }
0x4e: {  	_ =	shalt  }
0x4f: {  	_ =	shalt  }
0x50: {  	_ =	shalt  }
0x51: {  	_ =	shalt  }
0x52: {  	_ =	shalt  }
0x53: {  	_ =	shalt  }
0x54: {  	_ =	shalt  }
0x55: {  	_ =	shalt  }
0x56: {  	_ =	shalt  }
0x57: {  	_ =	shalt  }
0x58: {  	_ =	shalt  }
0x59: {  	_ =	shalt  }
0x5a: {  	_ =	shalt  }
0x5b: {  	_ =	shalt  }
0x5c: {  	_ =	shalt  }
0x5d: {  	_ =	shalt  }
0x5e: {  	_ =	shalt  }
0x5f: {  	_ =	shalt  }
0x60: {  	_ =	shalt  }
0x61: {  	_ =	shalt  }
0x62: {  	_ =	shalt  }
0x63: {  	_ =	shalt  }
0x64: {  	_ =	shalt  }
0x65: {  	_ =	shalt  }
0x66: {  	_ =	shalt  }
0x67: {  	_ =	shalt  }
0x68: {  	_ =	shalt  }
0x69: {  	_ =	shalt  }
0x6a: {  	_ =	shalt  }
0x6b: {  	_ =	shalt  }
0x6c: {  	_ =	shalt  }
0x6d: {  	_ =	shalt  }
0x6e: {  	_ =	shalt  }
0x6f: {  	_ =	shalt  }
0x70: {  	_ =	shalt  }
0x71: {  	_ =	shalt  }
0x72: {  	_ =	shalt  }
0x73: {  	_ =	shalt  }
0x74: {  	_ =	shalt  }
0x75: {  	_ =	shalt  }
0x76: {  	_ =	shalt  }
0x77: {  	_ =	shalt  }
0x78: {  	_ =	shalt  }
0x79: {  	_ =	shalt  }
0x7a: {  	_ =	shalt  }
0x7b: {  	_ =	shalt  }
0x7c: {  	_ =	shalt  }
0x7d: {  	_ =	shalt  }
0x7e: {  	_ =	shalt  }
0x7f: {  	_ =	shalt  }
0x80: {  	_ =	shalt  }
0x81: {  	_ =	shalt  }
0x82: {  	_ =	shalt  }
0x83: {  	_ =	shalt  }
0x84: {  	_ =	shalt  }
0x85: {  	_ =	shalt  }
0x86: {  	_ =	shalt  }
0x87: {  	_ =	shalt  }
.Lfunc_end0:
.L_simem_size_0:
called_computation.1_lowered:
.L_overlay_start_0:
0x88: {  	s2 =	sld [smem:$0x3FD9]  }
0x89: {  	s3 =	sld [smem:$0x3FFE];
	_ =	sdelay $0x1  }
0x8a: {  	s1 =	srdreg.scid  }
0x8b: {  	s0 =	sand.u32 $0x1, s1  }
0x8c: {  	s17 =	sshll.u32 s0, $0xA;
	s2 =	sadd.s32 s3, s2  }
0x8d: {  	s2 =	sadd.s32 s2, s17  }
0x8e: {  	[smem:$0x3FC4] =	sst s2  }
0x8f: {  	_ = 	snop  }
0x90: {  	s2 =	sld [smem:$0x3FD0];
	(tm) =	ssettm $0x1  }
0x91: {  	s18 =	sld [smem:$0x3FFB];
	_ =	sdelay $0x3  }
0x92: {  	_ =	strace s18  }
0x93: {  	s3 =	sld [smem:$0x3FFC];
	_ =	sdelay $0x3  }
0x94: {  	_ =	strace s3  }
0x95: {  	s3 =	sld [smem:$0x3FFD];
	_ =	sdelay $0x3  }
0x96: {  	_ =	strace s3  }
0x97: {  	_ =	strace $0x8FFFFFFF  }
0x98: {  	s19 =	sld [smem:$0x3FDB];
	_ =	sdelay $0x1  }
0x99: {  	s4 =	simm.s32 $_scs_section_size  }
0x9a: {  	s5 =	simm.s32 $_size__tile_overlayer_lowered;
	s6 =	simm.s32 $_tile_overlayer_lowered  }
0x9b: {  	s22 =	simm.s32 $0x1BFF;
	s21 =	sshll.u32 s6, $0x1;
	s3 =	sadd.s32 s4, s19  }
0x9c: {  	s7 =	simm.s32 $0x0;
	s20 =	sshll.u32 s5, $0x1;
	s5 =	sadd.s32 s21, s3  }
0x9d: {  	[timem:s7], [sflag:s22] =	dma.local [hbm:s5], s20  }
0x9e: {  	_ =	swait.ge [sflag:s22], s20  }
0x9f: {  	s4 =	ssub.s32 $0x0, s20;
	[sflag:s22] =	ssyncset.done $0x0  }
0xa0: {  	[sflag:s22] =	ssyncadd.s32 s4;
	_ =	sdelay $0x1  }
0xa1: {  	s23 =	simm.s32 $0x1B8B  }
0xa2: {  	_ =	swait.ge [sflag:s23], $0x1  }
0xa3: {  	[sflag:s23] =	ssyncset.done $0x0  }
0xa4: {  	s25 =	simm.s32 $0x1B8E;
	s24 =	sld [smem:$0x3FFE];
	[sflag:s23] =	ssyncadd.s32 $0xFFFFFFFF  }
0xa5: {  	s26 =	simm.s32 $execute0_lowered;
	[smem:$0x3FD2] =	sst s25  }
0xa6: {  	s5 =	sshll.u32 s26, $0x1;
	_ =	strace $0x80000049;
	[dreg:$0x1] =	wrdreg $0xFFFFFFFF  }
0xa7: {  	s28 =	simm.s32 $_size_execute0_lowered;
	s3 =	sadd.s32 s3, s5;
	[dreg:$0x0] =	wrdreg $0x0  }
0xa8: {  	s5 =	sshll.u32 s28, $0x1;
	[dreg:$0x2] =	wrdreg s3  }
0xa9: {  	[dreg:$0x3] =	wrdreg s5  }
0xaa: {  	[dreg:$0x4] =	wrdreg $0xC0  }
0xab: {  	_ =	task [dreg:s7], $0x5FFFF  }
0xac: {  	[dreg:$0x1] =	wrdreg $0xFFFFFFFF  }
0xad: {  	[dreg:$0x0] =	wrdreg $0x60  }
0xae: {  	[dreg:$0x2] =	wrdreg s2  }
0xaf: {  	[dreg:$0x3] =	wrdreg s24  }
0xb0: {  	[dreg:$0x4] =	wrdreg $0xA8000  }
0xb1: {  	[dreg:$0x5] =	wrdreg $0x9  }
0xb2: {  	_ =	task.clear_ibuf [dreg:s7], $0x6FFFF;
	_ =	strace $0x90000049  }
0xb3: {  	s29 =	simm.s32 $0x9;
	_ =	strace $0x8000004B  }
0xb4: {  	_ =	swait.ge [sflag:s29], $0x1  }
0xb5: {  	[sflag:s29] =	ssyncadd.s32 $0xFFFFFFFF  }
0xb6: {  	_ =	strace $0x9000004B  }
0xb7: {  	_ =	sfence  }
0xb8: {  	s30 =	sld [smem:$0x0];
	_ =	sdelay $0x2  }
0xb9: {  	s31 =	sshll.u32 s1, $0xD;
	s1 =	sshrl.u32 s1, $0x2  }
0xba: {  	s3 =	sand.u32 $0x4000, s31;
	s1 =	sadd.s32 s1, s30  }
0xbb: {  	s0 =	sor.u32 s3, s0;
	s1 =	sshll.u32 s1, $0x11  }
0xbc: {  	s0 =	sor.u32 s1, s0  }
0xbd: {  	s0 =	sadd.s32 $0x8F2B, s0  }
0xbe: {  	[sflag:s0] =	ssyncadd.remote.s32 $0x1  }
0xbf: {  	_ =	sfence.sel $0xFFFF  }
0xc0: {  	[dreg:$0x0] =	wrdreg $0xFFFFFFFF;
	(pc) =	sbr.abs _section_cstart, $3  }
0xc1: {  	[dreg:$0x1] =	wrdreg $0xFFFFFFFF  }
0xc2: {  	_ =	task.clear_ibuf [dreg:s7], $0x2FFFF;
	_ =	strace $0x9FFFFFFF  }
0xc3: {  	(tm) =	ssettm $0x7FFFFFFF  }
tec
execute0_lowered:
.L_overlay_start_1:
0x0: {  	(tag) =	ssettag $0x1  }
0x1: {  	s12 =	rddreg [dreg:$0x0]  }
0x2: {  	s5 =	rddreg [dreg:$0x1]  }
0x3: {  	s1 =	rddreg [dreg:$0x2]  }
0x4: {  	s2 =	srdreg.scid;
	s0 =	rddreg [dreg:$0x3]  }
0x5: {  	s3 =	simm.s32 $0x0;
	s17 =	simm.s32 $0x3;
	s18 =	simm.s32 $0x1400  }
0x6: {  	s19 =	simm.s32 $0x80;
	s20 =	simm.s32 $0x6800;
	s21 =	simm.s32 $0x1  }
0x7: {  	s22 =	simm.s32 $0x2;
	s23 =	simm.s32 $0x2700;
	s6 =	sand.u32 $0x1, s2  }
0x8: {  	s24 =	simm.s32 $0x2780;
	s2 =	stileid.u32;
	s7 =	smul.u32 $0x140000, s6  }
0x9: {  	[smem:$0x7FF] =	sst s3;
	s13 =	sadd.s32 $0x60200, s5;
	s8 =	smul.u32 $0x14000, s2  }
0xa: {  	s31 =	sshll.u32 s6, $0x4;
	s9 =	smul.u32 $0x50000, s2;
	s6 =	ssub.s32 $0x2, s6  }
0xb: {  	s4 =	sadd.s32 $0x2B200, s5;
	_ =	strace $0x8000004A;
	s10 =	sshrl.u32 s6, $0x1  }
0xc: {  	s7 =	sadd.s32 s8, s7;
	s8 =	sor.u32 s2, s31;
	s9 =	sshrl.u32 s9, $0x2  }
0xd: {  	s15 =	ssub.s32 s6, s10;
	s7 =	sshrl.u32 s7, $0x3;
	s8 =	smul.u32 $0x2800, s8  }
0xe: {  	s15 =	smax.u32 s15, $0x1;
	s14 =	sadd.s32 s7, s5;
	s5 =	sadd.s32 s9, s1  }
0xf: {  	s6 =	sadd.s32 $0x4000, s5;
	s7 =	sadd.s32 $0x8000, s5;
	s11 =	sshrl.u32 s8, $0x3  }
0x10: {  	s8 =	sadd.s32 $0xC000, s5;
	s9 =	sadd.s32 $0x10000, s5;
	s14 =	sadd.s32 $0xBA200, s14  }
0x11: {  	s16 =	sadd.s32 $0x280, s11;
	s10 =	sadd.s32 s12, s11;
	s11 =	sadd.s32 s13, s11  }
0x12: {  	v0 =	vimm.f32 $0.0e+00;
	s12 =	sadd.s32 s12, s16;
	s13 =	sadd.s32 s13, s16;
	s16 =	simm.s32 $0x2800  }
.LBB2_1:
0x13: {  	s25 =	simm.s32 $0x0;
	s26 =	simm.s32 $0x200  }
.LBB2_2:
0x14: {  	p0 =	sne.s32 s26, $0xFE00;
	[tilespmem:s25+$0x2870] =	vst v0  }
0x15: {  	[tilespmem:s25+$0x2800] =	vst v0  }
0x16: {  	[tilespmem:s25+$0x2810] =	vst v0  }
.Ltmp0:
0x17: {  	[tilespmem:s25+$0x2820] =	vst v0;
	(pc) =	sbr.rel @p0 .LBB2_2-.Ltmp0, $4  }
0x18: {  	[tilespmem:s25+$0x2830] =	vst v0  }
0x19: {  	[tilespmem:s25+$0x2840] =	vst v0  }
0x1a: {  	[tilespmem:s25+$0x2850] =	vst v0  }
0x1b: {  	[tilespmem:s25+$0x2860] =	vst v0;
	s25 =	sshra.s32 s26, $0x2;
	s26 =	sadd.s32 $0x200, s26  }
0x1c: {  	[tilespmem:s25+$0x2870] =	vst v0  }
0x1d: {  	[tilespmem:s25+$0x2800] =	vst v0  }
0x1e: {  	[tilespmem:s25+$0x2810] =	vst v0  }
0x1f: {  	[tilespmem:s25+$0x2820] =	vst v0  }
0x20: {  	[tilespmem:s25+$0x2830] =	vst v0  }
0x21: {  	[tilespmem:s25+$0x2840] =	vst v0  }
0x22: {  	[tilespmem:s25+$0x2850] =	vst v0  }
0x23: {  	[tilespmem:s25+$0x2860] =	vst v0  }
0x24: {  	[spmem:s5] =	stream.linear.scatter [tilespmem:s16], [sflag:$0x3], $0x4000, $0x38;
	[tilespmem:$0x1E800] =	vst v63  }
0x25: {  	_ =	swait.ge [sflag:s17], $0x4000  }
0x26: {  	[sflag:s17] =	ssyncset.done $0x0  }
0x27: {  	[sflag:s17] =	ssyncadd.s32 $0xFFFFC000  }
0x28: {  	[spmem:s6] =	stream.linear.scatter [tilespmem:s16], [sflag:$0x3], $0x4000, $0x38;
	[tilespmem:$0x1E800] =	vst v63  }
0x29: {  	_ =	swait.ge [sflag:s17], $0x4000  }
0x2a: {  	[sflag:s17] =	ssyncset.done $0x0  }
0x2b: {  	[sflag:s17] =	ssyncadd.s32 $0xFFFFC000  }
0x2c: {  	[spmem:s7] =	stream.linear.scatter [tilespmem:s16], [sflag:$0x3], $0x4000, $0x38;
	[tilespmem:$0x1E800] =	vst v63  }
0x2d: {  	_ =	swait.ge [sflag:s17], $0x4000  }
0x2e: {  	[sflag:s17] =	ssyncset.done $0x0  }
0x2f: {  	[sflag:s17] =	ssyncadd.s32 $0xFFFFC000  }
0x30: {  	[spmem:s8] =	stream.linear.scatter [tilespmem:s16], [sflag:$0x3], $0x4000, $0x38;
	[tilespmem:$0x1E800] =	vst v63  }
0x31: {  	_ =	swait.ge [sflag:s17], $0x4000  }
0x32: {  	[sflag:s17] =	ssyncset.done $0x0  }
0x33: {  	[sflag:s17] =	ssyncadd.s32 $0xFFFFC000  }
0x34: {  	[spmem:s9] =	stream.linear.scatter [tilespmem:s16], [sflag:$0x3], $0x4000, $0x38;
	[tilespmem:$0x1E800] =	vst v63  }
0x35: {  	_ =	swait.ge [sflag:s17], $0x4000  }
0x36: {  	[sflag:s17] =	ssyncset.done $0x0  }
0x37: {  	[sflag:s17] =	ssyncadd.s32 $0xFFFFC000  }
0x38: {  	s28 =	simm.s32 $0x0;
	[bflag:$0x0] =	sbarrier.arrive $0xFFFF  }
0x39: {  	[tilespmem:s28], [sflag:$0x3] =	stream.linear.gather [hbm4b:s10+s28], $0x1400, $0x38;
	[tilespmem:$0x1E800] =	vst v63  }
0x3a: {  	_ =	swait.ge [sflag:s17], $0x1400  }
0x3b: {  	[sflag:s17] =	ssyncset.done $0x0  }
0x3c: {  	[sflag:s17] =	ssyncadd.s32 $0xFFFFEC00  }
0x3d: {  	[tilespmem:s18], [sflag:$0x3] =	stream.linear.gather [hbm4b:s11+s28], $0x1400, $0x38;
	[tilespmem:$0x1E800] =	vst v63  }
0x3e: {  	_ =	swait.ge [sflag:s17], $0x1400  }
0x3f: {  	[sflag:s17] =	ssyncset.done $0x0  }
0x40: {  	[sflag:s17] =	ssyncadd.s32 $0xFFFFEC00  }
0x41: {  	[tilespmem:s16], [sflag:$0x1] =	stream.indirect.gather [hbm4b:s4+s19], $0x80, s28, s19, $0xb8;
	[tilespmem:$0x1E800] =	vst v63  }
0x42: {  	_ = 	snop  }
0x43: {  	[tilespmem:s20], [sflag:$0x2] =	stream.indirect.gather [hbm4b:s4+s19], $0x80, s19, s19, $0xb8;
	[tilespmem:$0x1E800] =	vst v63  }
0x44: {  	_ =	swait.ge [sflag:s21], $0x4000  }
0x45: {  	[sflag:s21] =	ssyncset.done $0x0  }
0x46: {  	s29 =	simm.s32 $0x1400;
	[sflag:s21] =	ssyncadd.s32 $0xFFFFC000  }
0x47: {  	[spmem:s1] =	stream.indirect.scatter.add.f32 [tilespmem:s16], [sflag:$0x3], $0x80, s29, s19, $0xb8;
	[tilespmem:$0x1E800] =	vst v63  }
0x48: {  	_ =	swait.ge [sflag:s17], $0x4000  }
0x49: {  	[sflag:s17] =	ssyncset.done $0x0  }
0x4a: {  	s30 =	simm.s32 $0x100;
	[sflag:s17] =	ssyncadd.s32 $0xFFFFC000  }
0x4b: {  	[tilespmem:s16], [sflag:$0x1] =	stream.indirect.gather [hbm4b:s4+s19], $0x80, s30, s19, $0xb8;
	[tilespmem:$0x1E800] =	vst v63  }
0x4c: {  	_ =	swait.ge [sflag:s22], $0x4000  }
0x4d: {  	[sflag:s22] =	ssyncset.done $0x0  }
0x4e: {  	s31 =	simm.s32 $0x1480;
	[sflag:s22] =	ssyncadd.s32 $0xFFFFC000  }
0x4f: {  	[spmem:s1] =	stream.indirect.scatter.add.f32 [tilespmem:s20], [sflag:$0x3], $0x80, s31, s19, $0xb8;
	[tilespmem:$0x1E800] =	vst v63  }
0x50: {  	_ =	swait.ge [sflag:s17], $0x4000  }
0x51: {  	[sflag:s17] =	ssyncset.done $0x0  }
0x52: {  	s25 =	simm.s32 $0x400;
	s26 =	simm.s32 $0x180;
	[sflag:s17] =	ssyncadd.s32 $0xFFFFC000  }
.LBB2_4:
0x53: {  	[tilespmem:s20], [sflag:$0x2] =	stream.indirect.gather [hbm4b:s4+s19], $0x80, s26, s19, $0xb8;
	[tilespmem:$0x1E800] =	vst v63  }
0x54: {  	s26 =	smov.u32 s25  }
0x55: {  	p0 =	sne.s32 s25, $0x4800;
	s25 =	sadd.s32 $0x400, s25;
	_ =	swait.ge [sflag:s21], $0x4000  }
0x56: {  	s26 =	sshra.s32 s26, $0x2;
	[sflag:s21] =	ssyncset.done $0x0  }
0x57: {  	s28 =	sadd.s32 $0x1400, s26;
	[sflag:s21] =	ssyncadd.s32 $0xFFFFC000  }
0x58: {  	[spmem:s1] =	stream.indirect.scatter.add.f32 [tilespmem:s16], [sflag:$0x3], $0x80, s28, s19, $0xb8;
	[tilespmem:$0x1E800] =	vst v63  }
0x59: {  	_ =	swait.ge [sflag:s17], $0x4000  }
0x5a: {  	[sflag:s17] =	ssyncset.done $0x0  }
0x5b: {  	s28 =	sadd.s32 $0x100, s26;
	[sflag:s17] =	ssyncadd.s32 $0xFFFFC000  }
0x5c: {  	[tilespmem:s16], [sflag:$0x1] =	stream.indirect.gather [hbm4b:s4+s19], $0x80, s28, s19, $0xb8;
	[tilespmem:$0x1E800] =	vst v63  }
0x5d: {  	_ =	swait.ge [sflag:s22], $0x4000  }
0x5e: {  	[sflag:s22] =	ssyncset.done $0x0  }
.Ltmp1:
0x5f: {  	s28 =	sadd.s32 $0x1480, s26;
	[sflag:s22] =	ssyncadd.s32 $0xFFFFC000;
	(pc) =	sbr.rel @p0 .LBB2_4-.Ltmp1, $4  }
0x60: {  	[spmem:s1] =	stream.indirect.scatter.add.f32 [tilespmem:s20], [sflag:$0x3], $0x80, s28, s19, $0xb8;
	[tilespmem:$0x1E800] =	vst v63  }
0x61: {  	_ =	swait.ge [sflag:s17], $0x4000  }
0x62: {  	[sflag:s17] =	ssyncset.done $0x0  }
0x63: {  	s26 =	sadd.s32 $0x180, s26;
	[sflag:s17] =	ssyncadd.s32 $0xFFFFC000  }
0x64: {  	[tilespmem:s20], [sflag:$0x2] =	stream.indirect.gather [hbm4b:s4+s19], $0x80, s26, s19, $0xb8;
	[tilespmem:$0x1E800] =	vst v63  }
0x65: {  	_ =	swait.ge [sflag:s21], $0x4000  }
0x66: {  	[sflag:s21] =	ssyncset.done $0x0  }
0x67: {  	[sflag:s21] =	ssyncadd.s32 $0xFFFFC000  }
0x68: {  	[spmem:s1] =	stream.indirect.scatter.add.f32 [tilespmem:s16], [sflag:$0x3], $0x80, s23, s19, $0xb8;
	[tilespmem:$0x1E800] =	vst v63  }
0x69: {  	_ =	swait.ge [sflag:s17], $0x4000  }
0x6a: {  	[sflag:s17] =	ssyncset.done $0x0  }
0x6b: {  	[sflag:s17] =	ssyncadd.s32 $0xFFFFC000  }
0x6c: {  	_ =	swait.ge [sflag:s22], $0x4000  }
0x6d: {  	[sflag:s22] =	ssyncset.done $0x0  }
0x6e: {  	[sflag:s22] =	ssyncadd.s32 $0xFFFFC000  }
0x6f: {  	[spmem:s1] =	stream.indirect.scatter.add.f32 [tilespmem:s20], [sflag:$0x3], $0x80, s24, s19, $0xb8;
	[tilespmem:$0x1E800] =	vst v63  }
0x70: {  	_ =	swait.ge [sflag:s17], $0x4000  }
0x71: {  	[sflag:s17] =	ssyncset.done $0x0  }
0x72: {  	s25 =	simm.s32 $0x0;
	[sflag:s17] =	ssyncadd.s32 $0xFFFFC000  }
0x73: {  	[tilespmem:s25], [sflag:$0x3] =	stream.linear.gather [hbm4b:s12+s25], $0x1400, $0x38;
	[tilespmem:$0x1E800] =	vst v63  }
0x74: {  	_ =	swait.ge [sflag:s17], $0x1400  }
0x75: {  	[sflag:s17] =	ssyncset.done $0x0  }
0x76: {  	[sflag:s17] =	ssyncadd.s32 $0xFFFFEC00  }
0x77: {  	[tilespmem:s18], [sflag:$0x3] =	stream.linear.gather [hbm4b:s13+s25], $0x1400, $0x38;
	[tilespmem:$0x1E800] =	vst v63  }
0x78: {  	_ =	swait.ge [sflag:s17], $0x1400  }
0x79: {  	[sflag:s17] =	ssyncset.done $0x0  }
0x7a: {  	[sflag:s17] =	ssyncadd.s32 $0xFFFFEC00  }
0x7b: {  	[tilespmem:s16], [sflag:$0x1] =	stream.indirect.gather [hbm4b:s4+s19], $0x80, s25, s19, $0xb8;
	[tilespmem:$0x1E800] =	vst v63  }
0x7c: {  	_ = 	snop  }
0x7d: {  	[tilespmem:s20], [sflag:$0x2] =	stream.indirect.gather [hbm4b:s4+s19], $0x80, s19, s19, $0xb8;
	[tilespmem:$0x1E800] =	vst v63  }
0x7e: {  	_ =	swait.ge [sflag:s21], $0x4000  }
0x7f: {  	[sflag:s21] =	ssyncset.done $0x0  }
0x80: {  	s29 =	simm.s32 $0x1400;
	[sflag:s21] =	ssyncadd.s32 $0xFFFFC000  }
0x81: {  	[spmem:s1] =	stream.indirect.scatter.add.f32 [tilespmem:s16], [sflag:$0x3], $0x80, s29, s19, $0xb8;
	[tilespmem:$0x1E800] =	vst v63  }
0x82: {  	_ =	swait.ge [sflag:s17], $0x4000  }
0x83: {  	[sflag:s17] =	ssyncset.done $0x0  }
0x84: {  	s30 =	simm.s32 $0x100;
	[sflag:s17] =	ssyncadd.s32 $0xFFFFC000  }
0x85: {  	[tilespmem:s16], [sflag:$0x1] =	stream.indirect.gather [hbm4b:s4+s19], $0x80, s30, s19, $0xb8;
	[tilespmem:$0x1E800] =	vst v63  }
0x86: {  	_ =	swait.ge [sflag:s22], $0x4000  }
0x87: {  	[sflag:s22] =	ssyncset.done $0x0  }
0x88: {  	s31 =	simm.s32 $0x1480;
	[sflag:s22] =	ssyncadd.s32 $0xFFFFC000  }
0x89: {  	[spmem:s1] =	stream.indirect.scatter.add.f32 [tilespmem:s20], [sflag:$0x3], $0x80, s31, s19, $0xb8;
	[tilespmem:$0x1E800] =	vst v63  }
0x8a: {  	_ =	swait.ge [sflag:s17], $0x4000  }
0x8b: {  	[sflag:s17] =	ssyncset.done $0x0  }
0x8c: {  	s26 =	simm.s32 $0x180;
	s25 =	simm.s32 $0x400;
	[sflag:s17] =	ssyncadd.s32 $0xFFFFC000  }
.LBB2_6:
0x8d: {  	[tilespmem:s20], [sflag:$0x2] =	stream.indirect.gather [hbm4b:s4+s19], $0x80, s26, s19, $0xb8;
	[tilespmem:$0x1E800] =	vst v63  }
0x8e: {  	s26 =	smov.u32 s25  }
0x8f: {  	p0 =	sne.s32 s25, $0x4800;
	s25 =	sadd.s32 $0x400, s25;
	_ =	swait.ge [sflag:s21], $0x4000  }
0x90: {  	s26 =	sshra.s32 s26, $0x2;
	[sflag:s21] =	ssyncset.done $0x0  }
0x91: {  	s28 =	sadd.s32 $0x1400, s26;
	[sflag:s21] =	ssyncadd.s32 $0xFFFFC000  }
0x92: {  	[spmem:s1] =	stream.indirect.scatter.add.f32 [tilespmem:s16], [sflag:$0x3], $0x80, s28, s19, $0xb8;
	[tilespmem:$0x1E800] =	vst v63  }
0x93: {  	_ =	swait.ge [sflag:s17], $0x4000  }
0x94: {  	[sflag:s17] =	ssyncset.done $0x0  }
0x95: {  	s28 =	sadd.s32 $0x100, s26;
	[sflag:s17] =	ssyncadd.s32 $0xFFFFC000  }
0x96: {  	[tilespmem:s16], [sflag:$0x1] =	stream.indirect.gather [hbm4b:s4+s19], $0x80, s28, s19, $0xb8;
	[tilespmem:$0x1E800] =	vst v63  }
0x97: {  	_ =	swait.ge [sflag:s22], $0x4000  }
0x98: {  	[sflag:s22] =	ssyncset.done $0x0  }
.Ltmp2:
0x99: {  	s28 =	sadd.s32 $0x1480, s26;
	[sflag:s22] =	ssyncadd.s32 $0xFFFFC000;
	(pc) =	sbr.rel @p0 .LBB2_6-.Ltmp2, $4  }
0x9a: {  	[spmem:s1] =	stream.indirect.scatter.add.f32 [tilespmem:s20], [sflag:$0x3], $0x80, s28, s19, $0xb8;
	[tilespmem:$0x1E800] =	vst v63  }
0x9b: {  	_ =	swait.ge [sflag:s17], $0x4000  }
0x9c: {  	[sflag:s17] =	ssyncset.done $0x0  }
0x9d: {  	s26 =	sadd.s32 $0x180, s26;
	[sflag:s17] =	ssyncadd.s32 $0xFFFFC000  }
0x9e: {  	[tilespmem:s20], [sflag:$0x2] =	stream.indirect.gather [hbm4b:s4+s19], $0x80, s26, s19, $0xb8;
	[tilespmem:$0x1E800] =	vst v63  }
0x9f: {  	_ =	swait.ge [sflag:s21], $0x4000  }
0xa0: {  	[sflag:s21] =	ssyncset.done $0x0  }
0xa1: {  	[sflag:s21] =	ssyncadd.s32 $0xFFFFC000  }
0xa2: {  	[spmem:s1] =	stream.indirect.scatter.add.f32 [tilespmem:s16], [sflag:$0x3], $0x80, s23, s19, $0xb8;
	[tilespmem:$0x1E800] =	vst v63  }
0xa3: {  	_ =	swait.ge [sflag:s17], $0x4000  }
0xa4: {  	[sflag:s17] =	ssyncset.done $0x0  }
0xa5: {  	[sflag:s17] =	ssyncadd.s32 $0xFFFFC000  }
0xa6: {  	_ =	swait.ge [sflag:s22], $0x4000  }
0xa7: {  	[sflag:s22] =	ssyncset.done $0x0  }
0xa8: {  	[sflag:s22] =	ssyncadd.s32 $0xFFFFC000  }
0xa9: {  	[spmem:s1] =	stream.indirect.scatter.add.f32 [tilespmem:s20], [sflag:$0x3], $0x80, s24, s19, $0xb8;
	[tilespmem:$0x1E800] =	vst v63  }
0xaa: {  	_ =	swait.ge [sflag:s17], $0x4000  }
0xab: {  	s25 =	sshll.u32 s2, $0x6;
	s3 =	sadd.s32 $0x1, s3;
	[sflag:s17] =	ssyncset.done $0x0  }
0xac: {  	s31 =	sshrl.u32 s5, $0x3;
	p0 =	sne.s32 s3, s15;
	[sflag:s17] =	ssyncadd.s32 $0xFFFFC000  }
.Ltmp3:
0xad: {  	s25 =	sor.u32 $0x1C03, s25;
	[bflag:$0x0] =	sbarrier.arrive $0xFFFF;
	(pc) =	sbr.rel @p0 .LBB2_1-.Ltmp3, $4  }
0xae: {  	[hbm:s14], [sflag:s25] =	dma.local [spmem:s31], $0x2800  }
0xaf: {  	_ =	swait.ge [sflag:s17], $0x2800  }
0xb0: {  	[sflag:s17] =	ssyncset.done $0x0  }
0xb1: {  	[sflag:s17] =	ssyncadd.s32 $0xFFFFD800  }
0xb2: {  	_ =	sfence.sel $0x180000  }
0xb3: {  	[bflag:$0x0] =	sbarrier.arrive $0xFFFF  }
0xb4: {  	p0 =	sne.s32 s2, $0x0;
	_ =	strace $0x9000004A  }
0xb5: {  	s0 =	sadd.s32 @!p0 $0x100000, s0;
	[bflag:$0x2] =	sbarrier.arrive $0xFFFF  }
0xb6: {  	[sflag:s0] =	ssyncadd.tile.s32 @!p0 $0x1;
	_ =	shalt  }
.Lfunc_end2:
_tile_overlayer_lowered:
.L_overlay_start_2:
0xb7: {  	(tag) =	ssettag $0x2  }
0xb8: {  	s0 =	rddreg [dreg:$0x0];
	s2 =	stileid.u32  }
0xb9: {  	s1 =	rddreg [dreg:$0x1];
	p0 =	sne.s32 s2, $0x0  }
0xba: {  	s3 =	rddreg [dreg:$0x2];
	[bflag:$0x3] =	sbarrier.arrive $0xFFFF;
	s2 =	simm.s32 @!p0 $0x1C03  }
0xbb: {  	[timem:s3], [sflag:s2] =	dma.local @!p0 [hbm:s0], s1  }
0xbc: {  	s0 =	simm.s32 @!p0 $0x3  }
0xbd: {  	_ =	swait.ge @!p0 [sflag:s0], s1  }
0xbe: {  	s1 =	ssub.s32 @!p0 $0x0, s1;
	[sflag:s0] =	ssyncset.done @!p0 $0x0  }
0xbf: {  	[sflag:s0] =	ssyncadd.s32 @!p0 s1  }
0xc0: {  	[bflag:$0x3] =	sbarrier.arrive $0xFFFF  }
0xc1: {  	_ =	shalt  }

// kernel: kernel.14.cloned.1.call-start
scs
__scs_entry_jumppad:
0x0: {  	(pc) =	sbr.rel $0x88, $3  }
0x1: {  	(tag) =	ssettag $0x0;
	lr =	simm.s32 $0x1  }
0x2: {  	[smem:$0x3F9D] =	sst lr;
	_ =	strace $0xD0000000  }
0x3: {  	_ = 	snop  }
0x4: {  	_ = 	snop  }
0x5: {  	_ = 	snop  }
0x6: {  	_ = 	snop  }
0x7: {  	_ = 	snop  }
__scs_overlays_trampoline_lowered:
0x8: {  	[smem:$0x3FAC] =	sst s0  }
0x9: {  	[smem:$0x3FAD] =	sst s1  }
0xa: {  	[smem:$0x3FAE] =	sst s2  }
0xb: {  	[smem:$0x3FAF] =	sst s3  }
0xc: {  	[smem:$0x3FB0] =	sst s4  }
0xd: {  	[smem:$0x3FB1] =	sst s5  }
0xe: {  	[smem:$0x3FB2] =	sst s6  }
0xf: {  	[smem:$0x3FB3] =	sst s7  }
0x10: {  	[smem:$0x3FB4] =	sst s8  }
0x11: {  	[smem:$0x3FB5] =	sst s9;
	s0 =	simm.s32 @!p0 $0x0  }
0x12: {  	s1 =	sld [smem:$0x3F9B];
	s0 =	simm.s32 @p0 $0x1  }
0x13: {  	[smem:$0x3FB6] =	sst s0;
	s0 =	simm.s32 @!p1 $0x0  }
0x14: {  	s2 =	sld [smem:$0x3F9A];
	s0 =	simm.s32 @p1 $0x1  }
0x15: {  	[smem:$0x3FB7] =	sst s0;
	s0 =	simm.s32 @!p2 $0x0  }
0x16: {  	s3 =	sld [smem:$0x3FDB];
	s0 =	simm.s32 @p2 $0x1  }
0x17: {  	s4 =	simm.s32 $0x1BF5;
	[smem:$0x3FB9] =	sst s0  }
0x18: {  	s0 =	sld [smem:$0x3F9C];
	_ =	swait.ge [sflag:s4], $0x0  }
0x19: {  	s7 =	sld [smem:$0x3F9D]  }
0x1a: {  	s8 =	sadd.s32 $0xFFFFE003, lr  }
0x1b: {  	s9 =	sadd.s32 $0xFFFFFEF7, lr;
	s5 =	simm.s32 $0xFFFFFFFF;
	p2 =	slt.u32 s8, $0xFFFFF086  }
0x1c: {  	p1 =	slt.u32 s9, $0xF7A;
	s5 =	simm.s32 @!p2 $0x0  }
0x1d: {  	s5 =	simm.s32 @p1 $0x1;
	p0 =	seq.s32 s7, s2  }
0x1e: {  	s7 =	smul.u32 @!p0 $0xF7A, s2;
	p2 =	seq.s32 @!p0 s5, $0x0  }
0x1f: {  	s9 =	smul.u32 $0xF7A, s1;
	s8 =	simm.s32 @!p0 $0x1BF5;
	p2 =	por !p2, p0  }
0x20: {  	[sflag:s8] =	ssyncset.s32 @!p0 $0xFFFFF086;
	s6 =	sadd.s32 @!p0 s3, s7;
	s7 =	simm.s32 @!p0 $0x108  }
0x21: {  	s3 =	sadd.s32 s3, s9;
	s6 =	sadd.s32 @!p0 $0x88, s6;
	s7 =	simm.s32 @p2 $0x1082  }
0x22: {  	[simem:s7], [sflag:s8] =	dma.local @!p0 [hbm:s6], $0xF7A  }
0x23: {  	s9 =	sor.u32 $0xD0000000, s2;
	s6 =	simm.s32 $0x108;
	_ =	swait.ge @!p0 [sflag:s8], $0x0  }
0x24: {  	s3 =	sadd.s32 $0x88, s3;
	s6 =	simm.s32 @!p1 $0x1082;
	[sflag:s4] =	ssyncset.s32 $0xFFFFF086  }
0x25: {  	[simem:s6], [sflag:s4] =	dma.local [hbm:s3], $0xF7A  }
0x26: {  	[smem:$0x3F9D] =	sst s1;
	(tag) =	ssettag s2;
	_ =	strace s9  }
0x27: {  	s1 =	sld [smem:$0x3FAD]  }
0x28: {  	s2 =	sld [smem:$0x3FAE]  }
0x29: {  	s4 =	sld [smem:$0x3FB0]  }
0x2a: {  	p0 =	seq.s32 s5, $0x0;
	s5 =	sld [smem:$0x3FB1]  }
0x2b: {  	s6 =	sld [smem:$0x3FB2]  }
0x2c: {  	s7 =	sld [smem:$0x3FB3]  }
0x2d: {  	s3 =	simm.s32 $0x108;
	s8 =	sld [smem:$0x3FB4]  }
0x2e: {  	s3 =	simm.s32 @!p0 $0x1082;
	s9 =	sld [smem:$0x3FB5]  }
0x2f: {  	lr =	sadd.s32 s0, s3;
	s0 =	sld [smem:$0x3FAC]  }
0x30: {  	s3 =	sld [smem:$0x3FAF]  }
0x31: {  	[smem:$0x3FB8] =	sst s10  }
0x32: {  	s10 =	sld [smem:$0x3FB6];
	_ =	sdelay $0x3  }
0x33: {  	p0 =	seq.s32 s10, $0x1;
	s10 =	sld [smem:$0x3FB8];
	_ =	sdelay $0x3  }
0x34: {  	[smem:$0x3FB8] =	sst s10  }
0x35: {  	s10 =	sld [smem:$0x3FB7];
	_ =	sdelay $0x3  }
0x36: {  	p1 =	seq.s32 s10, $0x1;
	s10 =	sld [smem:$0x3FB8];
	_ =	sdelay $0x3  }
0x37: {  	[smem:$0x3FB8] =	sst s10  }
0x38: {  	s10 =	sld [smem:$0x3FB9]  }
0x39: {  	_ = 	snop;
	(pc) =	sbr.ind lr, $3  }
0x3a: {  	_ = 	snop  }
0x3b: {  	_ = 	snop  }
0x3c: {  	p2 =	seq.s32 s10, $0x1;
	s10 =	sld [smem:$0x3FB8]  }
0x3d: {  	_ =	shalt  }
0x3e: {  	_ =	shalt  }
0x3f: {  	_ =	shalt  }
0x40: {  	_ =	shalt  }
0x41: {  	_ =	shalt  }
0x42: {  	_ =	shalt  }
0x43: {  	_ =	shalt  }
0x44: {  	_ =	shalt  }
0x45: {  	_ =	shalt  }
0x46: {  	_ =	shalt  }
0x47: {  	_ =	shalt  }
0x48: {  	_ =	shalt  }
0x49: {  	_ =	shalt  }
0x4a: {  	_ =	shalt  }
0x4b: {  	_ =	shalt  }
0x4c: {  	_ =	shalt  }
0x4d: {  	_ =	shalt  }
0x4e: {  	_ =	shalt  }
0x4f: {  	_ =	shalt  }
0x50: {  	_ =	shalt  }
0x51: {  	_ =	shalt  }
0x52: {  	_ =	shalt  }
0x53: {  	_ =	shalt  }
0x54: {  	_ =	shalt  }
0x55: {  	_ =	shalt  }
0x56: {  	_ =	shalt  }
0x57: {  	_ =	shalt  }
0x58: {  	_ =	shalt  }
0x59: {  	_ =	shalt  }
0x5a: {  	_ =	shalt  }
0x5b: {  	_ =	shalt  }
0x5c: {  	_ =	shalt  }
0x5d: {  	_ =	shalt  }
0x5e: {  	_ =	shalt  }
0x5f: {  	_ =	shalt  }
0x60: {  	_ =	shalt  }
0x61: {  	_ =	shalt  }
0x62: {  	_ =	shalt  }
0x63: {  	_ =	shalt  }
0x64: {  	_ =	shalt  }
0x65: {  	_ =	shalt  }
0x66: {  	_ =	shalt  }
0x67: {  	_ =	shalt  }
0x68: {  	_ =	shalt  }
0x69: {  	_ =	shalt  }
0x6a: {  	_ =	shalt  }
0x6b: {  	_ =	shalt  }
0x6c: {  	_ =	shalt  }
0x6d: {  	_ =	shalt  }
0x6e: {  	_ =	shalt  }
0x6f: {  	_ =	shalt  }
0x70: {  	_ =	shalt  }
0x71: {  	_ =	shalt  }
0x72: {  	_ =	shalt  }
0x73: {  	_ =	shalt  }
0x74: {  	_ =	shalt  }
0x75: {  	_ =	shalt  }
0x76: {  	_ =	shalt  }
0x77: {  	_ =	shalt  }
0x78: {  	_ =	shalt  }
0x79: {  	_ =	shalt  }
0x7a: {  	_ =	shalt  }
0x7b: {  	_ =	shalt  }
0x7c: {  	_ =	shalt  }
0x7d: {  	_ =	shalt  }
0x7e: {  	_ =	shalt  }
0x7f: {  	_ =	shalt  }
0x80: {  	_ =	shalt  }
0x81: {  	_ =	shalt  }
0x82: {  	_ =	shalt  }
0x83: {  	_ =	shalt  }
0x84: {  	_ =	shalt  }
0x85: {  	_ =	shalt  }
0x86: {  	_ =	shalt  }
0x87: {  	_ =	shalt  }
.Lfunc_end0:
.L_simem_size_0:
called_computation.2_lowered:
.L_overlay_start_0:
0x88: {  	s2 =	sld [smem:$0x3FD9]  }
0x89: {  	s3 =	sld [smem:$0x3FFE];
	_ =	sdelay $0x1  }
0x8a: {  	s1 =	srdreg.scid  }
0x8b: {  	s0 =	sand.u32 $0x1, s1  }
0x8c: {  	s17 =	sshll.u32 s0, $0xA;
	s2 =	sadd.s32 s3, s2  }
0x8d: {  	s2 =	sadd.s32 s2, s17  }
0x8e: {  	[smem:$0x3FC4] =	sst s2  }
0x8f: {  	_ = 	snop  }
0x90: {  	s2 =	sld [smem:$0x3FD0];
	(tm) =	ssettm $0x1  }
0x91: {  	s18 =	sld [smem:$0x3FFB];
	_ =	sdelay $0x3  }
0x92: {  	_ =	strace s18  }
0x93: {  	s3 =	sld [smem:$0x3FFC];
	_ =	sdelay $0x3  }
0x94: {  	_ =	strace s3  }
0x95: {  	s3 =	sld [smem:$0x3FFD];
	_ =	sdelay $0x3  }
0x96: {  	_ =	strace s3  }
0x97: {  	_ =	strace $0x8FFFFFFF  }
0x98: {  	s19 =	sld [smem:$0x3FDB];
	_ =	sdelay $0x1  }
0x99: {  	s4 =	simm.s32 $_scs_section_size  }
0x9a: {  	s5 =	simm.s32 $_size__tile_overlayer_lowered;
	s6 =	simm.s32 $_tile_overlayer_lowered  }
0x9b: {  	s22 =	simm.s32 $0x1BFF;
	s21 =	sshll.u32 s6, $0x1;
	s3 =	sadd.s32 s4, s19  }
0x9c: {  	s7 =	simm.s32 $0x0;
	s20 =	sshll.u32 s5, $0x1;
	s5 =	sadd.s32 s21, s3  }
0x9d: {  	[timem:s7], [sflag:s22] =	dma.local [hbm:s5], s20  }
0x9e: {  	_ =	swait.ge [sflag:s22], s20  }
0x9f: {  	s4 =	ssub.s32 $0x0, s20;
	[sflag:s22] =	ssyncset.done $0x0  }
0xa0: {  	[sflag:s22] =	ssyncadd.s32 s4;
	_ =	sdelay $0x1  }
0xa1: {  	s23 =	simm.s32 $0x1B8B  }
0xa2: {  	_ =	swait.ge [sflag:s23], $0x1  }
0xa3: {  	[sflag:s23] =	ssyncset.done $0x0  }
0xa4: {  	s25 =	simm.s32 $0x1B8E;
	s24 =	sld [smem:$0x3FFE];
	[sflag:s23] =	ssyncadd.s32 $0xFFFFFFFF  }
0xa5: {  	s26 =	simm.s32 $execute0_lowered;
	[smem:$0x3FD2] =	sst s25  }
0xa6: {  	s5 =	sshll.u32 s26, $0x1;
	_ =	strace $0x8000004C;
	[dreg:$0x1] =	wrdreg $0xFFFFFFFF  }
0xa7: {  	s28 =	simm.s32 $_size_execute0_lowered;
	s3 =	sadd.s32 s3, s5;
	[dreg:$0x0] =	wrdreg $0x0  }
0xa8: {  	s5 =	sshll.u32 s28, $0x1;
	[dreg:$0x2] =	wrdreg s3  }
0xa9: {  	[dreg:$0x3] =	wrdreg s5  }
0xaa: {  	[dreg:$0x4] =	wrdreg $0xC0  }
0xab: {  	_ =	task [dreg:s7], $0x5FFFF  }
0xac: {  	[dreg:$0x1] =	wrdreg $0xFFFFFFFF  }
0xad: {  	[dreg:$0x0] =	wrdreg $0x60  }
0xae: {  	[dreg:$0x2] =	wrdreg s2  }
0xaf: {  	[dreg:$0x3] =	wrdreg s24  }
0xb0: {  	[dreg:$0x4] =	wrdreg $0xA8000  }
0xb1: {  	[dreg:$0x5] =	wrdreg $0x9  }
0xb2: {  	_ =	task.clear_ibuf [dreg:s7], $0x6FFFF;
	_ =	strace $0x9000004C  }
0xb3: {  	s29 =	simm.s32 $0x9;
	_ =	strace $0x8000004E  }
0xb4: {  	_ =	swait.ge [sflag:s29], $0x1  }
0xb5: {  	[sflag:s29] =	ssyncadd.s32 $0xFFFFFFFF  }
0xb6: {  	_ =	strace $0x9000004E  }
0xb7: {  	_ =	sfence  }
0xb8: {  	s30 =	sld [smem:$0x0];
	_ =	sdelay $0x2  }
0xb9: {  	s31 =	sshll.u32 s1, $0xD;
	s1 =	sshrl.u32 s1, $0x2  }
0xba: {  	s3 =	sand.u32 $0x4000, s31;
	s1 =	sadd.s32 s1, s30  }
0xbb: {  	s0 =	sor.u32 s3, s0;
	s1 =	sshll.u32 s1, $0x11  }
0xbc: {  	s0 =	sor.u32 s1, s0  }
0xbd: {  	s0 =	sadd.s32 $0x8F2B, s0  }
0xbe: {  	[sflag:s0] =	ssyncadd.remote.s32 $0x1  }
0xbf: {  	_ =	sfence.sel $0xFFFF  }
0xc0: {  	[dreg:$0x0] =	wrdreg $0xFFFFFFFF;
	(pc) =	sbr.abs _section_cstart, $3  }
0xc1: {  	[dreg:$0x1] =	wrdreg $0xFFFFFFFF  }
0xc2: {  	_ =	task.clear_ibuf [dreg:s7], $0x2FFFF;
	_ =	strace $0x9FFFFFFF  }
0xc3: {  	(tm) =	ssettm $0x7FFFFFFF  }
tec
execute0_lowered:
.L_overlay_start_1:
0x0: {  	(tag) =	ssettag $0x1  }
0x1: {  	s12 =	rddreg [dreg:$0x0]  }
0x2: {  	s5 =	rddreg [dreg:$0x1]  }
0x3: {  	s1 =	rddreg [dreg:$0x2]  }
0x4: {  	s2 =	srdreg.scid;
	s0 =	rddreg [dreg:$0x3]  }
0x5: {  	s3 =	simm.s32 $0x0;
	s17 =	simm.s32 $0x3;
	s18 =	simm.s32 $0x1400  }
0x6: {  	s19 =	simm.s32 $0x80;
	s20 =	simm.s32 $0x6800;
	s21 =	simm.s32 $0x1  }
0x7: {  	s22 =	simm.s32 $0x2;
	s23 =	simm.s32 $0x2700;
	s6 =	sand.u32 $0x1, s2  }
0x8: {  	s24 =	simm.s32 $0x2780;
	s2 =	stileid.u32;
	s7 =	smul.u32 $0x140000, s6  }
0x9: {  	[smem:$0x7FF] =	sst s3;
	s13 =	sadd.s32 $0x60200, s5;
	s8 =	smul.u32 $0x14000, s2  }
0xa: {  	s31 =	sshll.u32 s6, $0x4;
	s9 =	smul.u32 $0x50000, s2;
	s6 =	ssub.s32 $0x2, s6  }
0xb: {  	s4 =	sadd.s32 $0x2B200, s5;
	_ =	strace $0x8000004D;
	s10 =	sshrl.u32 s6, $0x1  }
0xc: {  	s7 =	sadd.s32 s8, s7;
	s8 =	sor.u32 s2, s31;
	s9 =	sshrl.u32 s9, $0x2  }
0xd: {  	s15 =	ssub.s32 s6, s10;
	s7 =	sshrl.u32 s7, $0x3;
	s8 =	smul.u32 $0x2800, s8  }
0xe: {  	s15 =	smax.u32 s15, $0x1;
	s14 =	sadd.s32 s7, s5;
	s5 =	sadd.s32 s9, s1  }
0xf: {  	s6 =	sadd.s32 $0x4000, s5;
	s7 =	sadd.s32 $0x8000, s5;
	s11 =	sshrl.u32 s8, $0x3  }
0x10: {  	s8 =	sadd.s32 $0xC000, s5;
	s9 =	sadd.s32 $0x10000, s5;
	s14 =	sadd.s32 $0xBA200, s14  }
0x11: {  	s16 =	sadd.s32 $0x280, s11;
	s10 =	sadd.s32 s12, s11;
	s11 =	sadd.s32 s13, s11  }
0x12: {  	v0 =	vimm.f32 $0.0e+00;
	s12 =	sadd.s32 s12, s16;
	s13 =	sadd.s32 s13, s16;
	s16 =	simm.s32 $0x2800  }
.LBB2_1:
0x13: {  	s25 =	simm.s32 $0x0;
	s26 =	simm.s32 $0x200  }
.LBB2_2:
0x14: {  	p0 =	sne.s32 s26, $0xFE00;
	[tilespmem:s25+$0x2870] =	vst v0  }
0x15: {  	[tilespmem:s25+$0x2800] =	vst v0  }
0x16: {  	[tilespmem:s25+$0x2810] =	vst v0  }
.Ltmp0:
0x17: {  	[tilespmem:s25+$0x2820] =	vst v0;
	(pc) =	sbr.rel @p0 .LBB2_2-.Ltmp0, $4  }
0x18: {  	[tilespmem:s25+$0x2830] =	vst v0  }
0x19: {  	[tilespmem:s25+$0x2840] =	vst v0  }
0x1a: {  	[tilespmem:s25+$0x2850] =	vst v0  }
0x1b: {  	[tilespmem:s25+$0x2860] =	vst v0;
	s25 =	sshra.s32 s26, $0x2;
	s26 =	sadd.s32 $0x200, s26  }
0x1c: {  	[tilespmem:s25+$0x2870] =	vst v0  }
0x1d: {  	[tilespmem:s25+$0x2800] =	vst v0  }
0x1e: {  	[tilespmem:s25+$0x2810] =	vst v0  }
0x1f: {  	[tilespmem:s25+$0x2820] =	vst v0  }
0x20: {  	[tilespmem:s25+$0x2830] =	vst v0  }
0x21: {  	[tilespmem:s25+$0x2840] =	vst v0  }
0x22: {  	[tilespmem:s25+$0x2850] =	vst v0  }
0x23: {  	[tilespmem:s25+$0x2860] =	vst v0  }
0x24: {  	[spmem:s5] =	stream.linear.scatter [tilespmem:s16], [sflag:$0x3], $0x4000, $0x38;
	[tilespmem:$0x1E800] =	vst v63  }
0x25: {  	_ =	swait.ge [sflag:s17], $0x4000  }
0x26: {  	[sflag:s17] =	ssyncset.done $0x0  }
0x27: {  	[sflag:s17] =	ssyncadd.s32 $0xFFFFC000  }
0x28: {  	[spmem:s6] =	stream.linear.scatter [tilespmem:s16], [sflag:$0x3], $0x4000, $0x38;
	[tilespmem:$0x1E800] =	vst v63  }
0x29: {  	_ =	swait.ge [sflag:s17], $0x4000  }
0x2a: {  	[sflag:s17] =	ssyncset.done $0x0  }
0x2b: {  	[sflag:s17] =	ssyncadd.s32 $0xFFFFC000  }
0x2c: {  	[spmem:s7] =	stream.linear.scatter [tilespmem:s16], [sflag:$0x3], $0x4000, $0x38;
	[tilespmem:$0x1E800] =	vst v63  }
0x2d: {  	_ =	swait.ge [sflag:s17], $0x4000  }
0x2e: {  	[sflag:s17] =	ssyncset.done $0x0  }
0x2f: {  	[sflag:s17] =	ssyncadd.s32 $0xFFFFC000  }
0x30: {  	[spmem:s8] =	stream.linear.scatter [tilespmem:s16], [sflag:$0x3], $0x4000, $0x38;
	[tilespmem:$0x1E800] =	vst v63  }
0x31: {  	_ =	swait.ge [sflag:s17], $0x4000  }
0x32: {  	[sflag:s17] =	ssyncset.done $0x0  }
0x33: {  	[sflag:s17] =	ssyncadd.s32 $0xFFFFC000  }
0x34: {  	[spmem:s9] =	stream.linear.scatter [tilespmem:s16], [sflag:$0x3], $0x4000, $0x38;
	[tilespmem:$0x1E800] =	vst v63  }
0x35: {  	_ =	swait.ge [sflag:s17], $0x4000  }
0x36: {  	[sflag:s17] =	ssyncset.done $0x0  }
0x37: {  	[sflag:s17] =	ssyncadd.s32 $0xFFFFC000  }
0x38: {  	s28 =	simm.s32 $0x0;
	[bflag:$0x0] =	sbarrier.arrive $0xFFFF  }
0x39: {  	[tilespmem:s28], [sflag:$0x3] =	stream.linear.gather [hbm4b:s10+s28], $0x1400, $0x38;
	[tilespmem:$0x1E800] =	vst v63  }
0x3a: {  	_ =	swait.ge [sflag:s17], $0x1400  }
0x3b: {  	[sflag:s17] =	ssyncset.done $0x0  }
0x3c: {  	[sflag:s17] =	ssyncadd.s32 $0xFFFFEC00  }
0x3d: {  	[tilespmem:s18], [sflag:$0x3] =	stream.linear.gather [hbm4b:s11+s28], $0x1400, $0x38;
	[tilespmem:$0x1E800] =	vst v63  }
0x3e: {  	_ =	swait.ge [sflag:s17], $0x1400  }
0x3f: {  	[sflag:s17] =	ssyncset.done $0x0  }
0x40: {  	[sflag:s17] =	ssyncadd.s32 $0xFFFFEC00  }
0x41: {  	[tilespmem:s16], [sflag:$0x1] =	stream.indirect.gather [hbm4b:s4+s19], $0x80, s28, s19, $0xb8;
	[tilespmem:$0x1E800] =	vst v63  }
0x42: {  	_ = 	snop  }
0x43: {  	[tilespmem:s20], [sflag:$0x2] =	stream.indirect.gather [hbm4b:s4+s19], $0x80, s19, s19, $0xb8;
	[tilespmem:$0x1E800] =	vst v63  }
0x44: {  	_ =	swait.ge [sflag:s21], $0x4000  }
0x45: {  	[sflag:s21] =	ssyncset.done $0x0  }
0x46: {  	s29 =	simm.s32 $0x1400;
	[sflag:s21] =	ssyncadd.s32 $0xFFFFC000  }
0x47: {  	[spmem:s1] =	stream.indirect.scatter.add.f32 [tilespmem:s16], [sflag:$0x3], $0x80, s29, s19, $0xb8;
	[tilespmem:$0x1E800] =	vst v63  }
0x48: {  	_ =	swait.ge [sflag:s17], $0x4000  }
0x49: {  	[sflag:s17] =	ssyncset.done $0x0  }
0x4a: {  	s30 =	simm.s32 $0x100;
	[sflag:s17] =	ssyncadd.s32 $0xFFFFC000  }
0x4b: {  	[tilespmem:s16], [sflag:$0x1] =	stream.indirect.gather [hbm4b:s4+s19], $0x80, s30, s19, $0xb8;
	[tilespmem:$0x1E800] =	vst v63  }
0x4c: {  	_ =	swait.ge [sflag:s22], $0x4000  }
0x4d: {  	[sflag:s22] =	ssyncset.done $0x0  }
0x4e: {  	s31 =	simm.s32 $0x1480;
	[sflag:s22] =	ssyncadd.s32 $0xFFFFC000  }
0x4f: {  	[spmem:s1] =	stream.indirect.scatter.add.f32 [tilespmem:s20], [sflag:$0x3], $0x80, s31, s19, $0xb8;
	[tilespmem:$0x1E800] =	vst v63  }
0x50: {  	_ =	swait.ge [sflag:s17], $0x4000  }
0x51: {  	[sflag:s17] =	ssyncset.done $0x0  }
0x52: {  	s25 =	simm.s32 $0x400;
	s26 =	simm.s32 $0x180;
	[sflag:s17] =	ssyncadd.s32 $0xFFFFC000  }
.LBB2_4:
0x53: {  	[tilespmem:s20], [sflag:$0x2] =	stream.indirect.gather [hbm4b:s4+s19], $0x80, s26, s19, $0xb8;
	[tilespmem:$0x1E800] =	vst v63  }
0x54: {  	s26 =	smov.u32 s25  }
0x55: {  	p0 =	sne.s32 s25, $0x4800;
	s25 =	sadd.s32 $0x400, s25;
	_ =	swait.ge [sflag:s21], $0x4000  }
0x56: {  	s26 =	sshra.s32 s26, $0x2;
	[sflag:s21] =	ssyncset.done $0x0  }
0x57: {  	s28 =	sadd.s32 $0x1400, s26;
	[sflag:s21] =	ssyncadd.s32 $0xFFFFC000  }
0x58: {  	[spmem:s1] =	stream.indirect.scatter.add.f32 [tilespmem:s16], [sflag:$0x3], $0x80, s28, s19, $0xb8;
	[tilespmem:$0x1E800] =	vst v63  }
0x59: {  	_ =	swait.ge [sflag:s17], $0x4000  }
0x5a: {  	[sflag:s17] =	ssyncset.done $0x0  }
0x5b: {  	s28 =	sadd.s32 $0x100, s26;
	[sflag:s17] =	ssyncadd.s32 $0xFFFFC000  }
0x5c: {  	[tilespmem:s16], [sflag:$0x1] =	stream.indirect.gather [hbm4b:s4+s19], $0x80, s28, s19, $0xb8;
	[tilespmem:$0x1E800] =	vst v63  }
0x5d: {  	_ =	swait.ge [sflag:s22], $0x4000  }
0x5e: {  	[sflag:s22] =	ssyncset.done $0x0  }
.Ltmp1:
0x5f: {  	s28 =	sadd.s32 $0x1480, s26;
	[sflag:s22] =	ssyncadd.s32 $0xFFFFC000;
	(pc) =	sbr.rel @p0 .LBB2_4-.Ltmp1, $4  }
0x60: {  	[spmem:s1] =	stream.indirect.scatter.add.f32 [tilespmem:s20], [sflag:$0x3], $0x80, s28, s19, $0xb8;
	[tilespmem:$0x1E800] =	vst v63  }
0x61: {  	_ =	swait.ge [sflag:s17], $0x4000  }
0x62: {  	[sflag:s17] =	ssyncset.done $0x0  }
0x63: {  	s26 =	sadd.s32 $0x180, s26;
	[sflag:s17] =	ssyncadd.s32 $0xFFFFC000  }
0x64: {  	[tilespmem:s20], [sflag:$0x2] =	stream.indirect.gather [hbm4b:s4+s19], $0x80, s26, s19, $0xb8;
	[tilespmem:$0x1E800] =	vst v63  }
0x65: {  	_ =	swait.ge [sflag:s21], $0x4000  }
0x66: {  	[sflag:s21] =	ssyncset.done $0x0  }
0x67: {  	[sflag:s21] =	ssyncadd.s32 $0xFFFFC000  }
0x68: {  	[spmem:s1] =	stream.indirect.scatter.add.f32 [tilespmem:s16], [sflag:$0x3], $0x80, s23, s19, $0xb8;
	[tilespmem:$0x1E800] =	vst v63  }
0x69: {  	_ =	swait.ge [sflag:s17], $0x4000  }
0x6a: {  	[sflag:s17] =	ssyncset.done $0x0  }
0x6b: {  	[sflag:s17] =	ssyncadd.s32 $0xFFFFC000  }
0x6c: {  	_ =	swait.ge [sflag:s22], $0x4000  }
0x6d: {  	[sflag:s22] =	ssyncset.done $0x0  }
0x6e: {  	[sflag:s22] =	ssyncadd.s32 $0xFFFFC000  }
0x6f: {  	[spmem:s1] =	stream.indirect.scatter.add.f32 [tilespmem:s20], [sflag:$0x3], $0x80, s24, s19, $0xb8;
	[tilespmem:$0x1E800] =	vst v63  }
0x70: {  	_ =	swait.ge [sflag:s17], $0x4000  }
0x71: {  	[sflag:s17] =	ssyncset.done $0x0  }
0x72: {  	s25 =	simm.s32 $0x0;
	[sflag:s17] =	ssyncadd.s32 $0xFFFFC000  }
0x73: {  	[tilespmem:s25], [sflag:$0x3] =	stream.linear.gather [hbm4b:s12+s25], $0x1400, $0x38;
	[tilespmem:$0x1E800] =	vst v63  }
0x74: {  	_ =	swait.ge [sflag:s17], $0x1400  }
0x75: {  	[sflag:s17] =	ssyncset.done $0x0  }
0x76: {  	[sflag:s17] =	ssyncadd.s32 $0xFFFFEC00  }
0x77: {  	[tilespmem:s18], [sflag:$0x3] =	stream.linear.gather [hbm4b:s13+s25], $0x1400, $0x38;
	[tilespmem:$0x1E800] =	vst v63  }
0x78: {  	_ =	swait.ge [sflag:s17], $0x1400  }
0x79: {  	[sflag:s17] =	ssyncset.done $0x0  }
0x7a: {  	[sflag:s17] =	ssyncadd.s32 $0xFFFFEC00  }
0x7b: {  	[tilespmem:s16], [sflag:$0x1] =	stream.indirect.gather [hbm4b:s4+s19], $0x80, s25, s19, $0xb8;
	[tilespmem:$0x1E800] =	vst v63  }
0x7c: {  	_ = 	snop  }
0x7d: {  	[tilespmem:s20], [sflag:$0x2] =	stream.indirect.gather [hbm4b:s4+s19], $0x80, s19, s19, $0xb8;
	[tilespmem:$0x1E800] =	vst v63  }
0x7e: {  	_ =	swait.ge [sflag:s21], $0x4000  }
0x7f: {  	[sflag:s21] =	ssyncset.done $0x0  }
0x80: {  	s29 =	simm.s32 $0x1400;
	[sflag:s21] =	ssyncadd.s32 $0xFFFFC000  }
0x81: {  	[spmem:s1] =	stream.indirect.scatter.add.f32 [tilespmem:s16], [sflag:$0x3], $0x80, s29, s19, $0xb8;
	[tilespmem:$0x1E800] =	vst v63  }
0x82: {  	_ =	swait.ge [sflag:s17], $0x4000  }
0x83: {  	[sflag:s17] =	ssyncset.done $0x0  }
0x84: {  	s30 =	simm.s32 $0x100;
	[sflag:s17] =	ssyncadd.s32 $0xFFFFC000  }
0x85: {  	[tilespmem:s16], [sflag:$0x1] =	stream.indirect.gather [hbm4b:s4+s19], $0x80, s30, s19, $0xb8;
	[tilespmem:$0x1E800] =	vst v63  }
0x86: {  	_ =	swait.ge [sflag:s22], $0x4000  }
0x87: {  	[sflag:s22] =	ssyncset.done $0x0  }
0x88: {  	s31 =	simm.s32 $0x1480;
	[sflag:s22] =	ssyncadd.s32 $0xFFFFC000  }
0x89: {  	[spmem:s1] =	stream.indirect.scatter.add.f32 [tilespmem:s20], [sflag:$0x3], $0x80, s31, s19, $0xb8;
	[tilespmem:$0x1E800] =	vst v63  }
0x8a: {  	_ =	swait.ge [sflag:s17], $0x4000  }
0x8b: {  	[sflag:s17] =	ssyncset.done $0x0  }
0x8c: {  	s26 =	simm.s32 $0x180;
	s25 =	simm.s32 $0x400;
	[sflag:s17] =	ssyncadd.s32 $0xFFFFC000  }
.LBB2_6:
0x8d: {  	[tilespmem:s20], [sflag:$0x2] =	stream.indirect.gather [hbm4b:s4+s19], $0x80, s26, s19, $0xb8;
	[tilespmem:$0x1E800] =	vst v63  }
0x8e: {  	s26 =	smov.u32 s25  }
0x8f: {  	p0 =	sne.s32 s25, $0x4800;
	s25 =	sadd.s32 $0x400, s25;
	_ =	swait.ge [sflag:s21], $0x4000  }
0x90: {  	s26 =	sshra.s32 s26, $0x2;
	[sflag:s21] =	ssyncset.done $0x0  }
0x91: {  	s28 =	sadd.s32 $0x1400, s26;
	[sflag:s21] =	ssyncadd.s32 $0xFFFFC000  }
0x92: {  	[spmem:s1] =	stream.indirect.scatter.add.f32 [tilespmem:s16], [sflag:$0x3], $0x80, s28, s19, $0xb8;
	[tilespmem:$0x1E800] =	vst v63  }
0x93: {  	_ =	swait.ge [sflag:s17], $0x4000  }
0x94: {  	[sflag:s17] =	ssyncset.done $0x0  }
0x95: {  	s28 =	sadd.s32 $0x100, s26;
	[sflag:s17] =	ssyncadd.s32 $0xFFFFC000  }
0x96: {  	[tilespmem:s16], [sflag:$0x1] =	stream.indirect.gather [hbm4b:s4+s19], $0x80, s28, s19, $0xb8;
	[tilespmem:$0x1E800] =	vst v63  }
0x97: {  	_ =	swait.ge [sflag:s22], $0x4000  }
0x98: {  	[sflag:s22] =	ssyncset.done $0x0  }
.Ltmp2:
0x99: {  	s28 =	sadd.s32 $0x1480, s26;
	[sflag:s22] =	ssyncadd.s32 $0xFFFFC000;
	(pc) =	sbr.rel @p0 .LBB2_6-.Ltmp2, $4  }
0x9a: {  	[spmem:s1] =	stream.indirect.scatter.add.f32 [tilespmem:s20], [sflag:$0x3], $0x80, s28, s19, $0xb8;
	[tilespmem:$0x1E800] =	vst v63  }
0x9b: {  	_ =	swait.ge [sflag:s17], $0x4000  }
0x9c: {  	[sflag:s17] =	ssyncset.done $0x0  }
0x9d: {  	s26 =	sadd.s32 $0x180, s26;
	[sflag:s17] =	ssyncadd.s32 $0xFFFFC000  }
0x9e: {  	[tilespmem:s20], [sflag:$0x2] =	stream.indirect.gather [hbm4b:s4+s19], $0x80, s26, s19, $0xb8;
	[tilespmem:$0x1E800] =	vst v63  }
0x9f: {  	_ =	swait.ge [sflag:s21], $0x4000  }
0xa0: {  	[sflag:s21] =	ssyncset.done $0x0  }
0xa1: {  	[sflag:s21] =	ssyncadd.s32 $0xFFFFC000  }
0xa2: {  	[spmem:s1] =	stream.indirect.scatter.add.f32 [tilespmem:s16], [sflag:$0x3], $0x80, s23, s19, $0xb8;
	[tilespmem:$0x1E800] =	vst v63  }
0xa3: {  	_ =	swait.ge [sflag:s17], $0x4000  }
0xa4: {  	[sflag:s17] =	ssyncset.done $0x0  }
0xa5: {  	[sflag:s17] =	ssyncadd.s32 $0xFFFFC000  }
0xa6: {  	_ =	swait.ge [sflag:s22], $0x4000  }
0xa7: {  	[sflag:s22] =	ssyncset.done $0x0  }
0xa8: {  	[sflag:s22] =	ssyncadd.s32 $0xFFFFC000  }
0xa9: {  	[spmem:s1] =	stream.indirect.scatter.add.f32 [tilespmem:s20], [sflag:$0x3], $0x80, s24, s19, $0xb8;
	[tilespmem:$0x1E800] =	vst v63  }
0xaa: {  	_ =	swait.ge [sflag:s17], $0x4000  }
0xab: {  	s25 =	sshll.u32 s2, $0x6;
	s3 =	sadd.s32 $0x1, s3;
	[sflag:s17] =	ssyncset.done $0x0  }
0xac: {  	s31 =	sshrl.u32 s5, $0x3;
	p0 =	sne.s32 s3, s15;
	[sflag:s17] =	ssyncadd.s32 $0xFFFFC000  }
.Ltmp3:
0xad: {  	s25 =	sor.u32 $0x1C03, s25;
	[bflag:$0x0] =	sbarrier.arrive $0xFFFF;
	(pc) =	sbr.rel @p0 .LBB2_1-.Ltmp3, $4  }
0xae: {  	[hbm:s14], [sflag:s25] =	dma.local [spmem:s31], $0x2800  }
0xaf: {  	_ =	swait.ge [sflag:s17], $0x2800  }
0xb0: {  	[sflag:s17] =	ssyncset.done $0x0  }
0xb1: {  	[sflag:s17] =	ssyncadd.s32 $0xFFFFD800  }
0xb2: {  	_ =	sfence.sel $0x180000  }
0xb3: {  	[bflag:$0x0] =	sbarrier.arrive $0xFFFF  }
0xb4: {  	p0 =	sne.s32 s2, $0x0;
	_ =	strace $0x9000004D  }
0xb5: {  	s0 =	sadd.s32 @!p0 $0x100000, s0;
	[bflag:$0x2] =	sbarrier.arrive $0xFFFF  }
0xb6: {  	[sflag:s0] =	ssyncadd.tile.s32 @!p0 $0x1;
	_ =	shalt  }
.Lfunc_end2:
_tile_overlayer_lowered:
.L_overlay_start_2:
0xb7: {  	(tag) =	ssettag $0x2  }
0xb8: {  	s0 =	rddreg [dreg:$0x0];
	s2 =	stileid.u32  }
0xb9: {  	s1 =	rddreg [dreg:$0x1];
	p0 =	sne.s32 s2, $0x0  }
0xba: {  	s3 =	rddreg [dreg:$0x2];
	[bflag:$0x3] =	sbarrier.arrive $0xFFFF;
	s2 =	simm.s32 @!p0 $0x1C03  }
0xbb: {  	[timem:s3], [sflag:s2] =	dma.local @!p0 [hbm:s0], s1  }
0xbc: {  	s0 =	simm.s32 @!p0 $0x3  }
0xbd: {  	_ =	swait.ge @!p0 [sflag:s0], s1  }
0xbe: {  	s1 =	ssub.s32 @!p0 $0x0, s1;
	[sflag:s0] =	ssyncset.done @!p0 $0x0  }
0xbf: {  	[sflag:s0] =	ssyncadd.s32 @!p0 s1  }
0xc0: {  	[bflag:$0x3] =	sbarrier.arrive $0xFFFF  }
0xc1: {  	_ =	shalt  }

// kernel: kernel.8.cloned.1.call-start
scs
__scs_entry_jumppad:
0x0: {  	(pc) =	sbr.rel $0x88, $3  }
0x1: {  	(tag) =	ssettag $0x0;
	lr =	simm.s32 $0x1  }
0x2: {  	[smem:$0x3F9D] =	sst lr;
	_ =	strace $0xD0000000  }
0x3: {  	_ = 	snop  }
0x4: {  	_ = 	snop  }
0x5: {  	_ = 	snop  }
0x6: {  	_ = 	snop  }
0x7: {  	_ = 	snop  }
__scs_overlays_trampoline_lowered:
0x8: {  	[smem:$0x3FAC] =	sst s0  }
0x9: {  	[smem:$0x3FAD] =	sst s1  }
0xa: {  	[smem:$0x3FAE] =	sst s2  }
0xb: {  	[smem:$0x3FAF] =	sst s3  }
0xc: {  	[smem:$0x3FB0] =	sst s4  }
0xd: {  	[smem:$0x3FB1] =	sst s5  }
0xe: {  	[smem:$0x3FB2] =	sst s6  }
0xf: {  	[smem:$0x3FB3] =	sst s7  }
0x10: {  	[smem:$0x3FB4] =	sst s8  }
0x11: {  	[smem:$0x3FB5] =	sst s9;
	s0 =	simm.s32 @!p0 $0x0  }
0x12: {  	s1 =	sld [smem:$0x3F9B];
	s0 =	simm.s32 @p0 $0x1  }
0x13: {  	[smem:$0x3FB6] =	sst s0;
	s0 =	simm.s32 @!p1 $0x0  }
0x14: {  	s2 =	sld [smem:$0x3F9A];
	s0 =	simm.s32 @p1 $0x1  }
0x15: {  	[smem:$0x3FB7] =	sst s0;
	s0 =	simm.s32 @!p2 $0x0  }
0x16: {  	s3 =	sld [smem:$0x3FDB];
	s0 =	simm.s32 @p2 $0x1  }
0x17: {  	s4 =	simm.s32 $0x1BF5;
	[smem:$0x3FB9] =	sst s0  }
0x18: {  	s0 =	sld [smem:$0x3F9C];
	_ =	swait.ge [sflag:s4], $0x0  }
0x19: {  	s7 =	sld [smem:$0x3F9D]  }
0x1a: {  	s8 =	sadd.s32 $0xFFFFE003, lr  }
0x1b: {  	s9 =	sadd.s32 $0xFFFFFEF7, lr;
	s5 =	simm.s32 $0xFFFFFFFF;
	p2 =	slt.u32 s8, $0xFFFFF086  }
0x1c: {  	p1 =	slt.u32 s9, $0xF7A;
	s5 =	simm.s32 @!p2 $0x0  }
0x1d: {  	s5 =	simm.s32 @p1 $0x1;
	p0 =	seq.s32 s7, s2  }
0x1e: {  	s7 =	smul.u32 @!p0 $0xF7A, s2;
	p2 =	seq.s32 @!p0 s5, $0x0  }
0x1f: {  	s9 =	smul.u32 $0xF7A, s1;
	s8 =	simm.s32 @!p0 $0x1BF5;
	p2 =	por !p2, p0  }
0x20: {  	[sflag:s8] =	ssyncset.s32 @!p0 $0xFFFFF086;
	s6 =	sadd.s32 @!p0 s3, s7;
	s7 =	simm.s32 @!p0 $0x108  }
0x21: {  	s3 =	sadd.s32 s3, s9;
	s6 =	sadd.s32 @!p0 $0x88, s6;
	s7 =	simm.s32 @p2 $0x1082  }
0x22: {  	[simem:s7], [sflag:s8] =	dma.local @!p0 [hbm:s6], $0xF7A  }
0x23: {  	s9 =	sor.u32 $0xD0000000, s2;
	s6 =	simm.s32 $0x108;
	_ =	swait.ge @!p0 [sflag:s8], $0x0  }
0x24: {  	s3 =	sadd.s32 $0x88, s3;
	s6 =	simm.s32 @!p1 $0x1082;
	[sflag:s4] =	ssyncset.s32 $0xFFFFF086  }
0x25: {  	[simem:s6], [sflag:s4] =	dma.local [hbm:s3], $0xF7A  }
0x26: {  	[smem:$0x3F9D] =	sst s1;
	(tag) =	ssettag s2;
	_ =	strace s9  }
0x27: {  	s1 =	sld [smem:$0x3FAD]  }
0x28: {  	s2 =	sld [smem:$0x3FAE]  }
0x29: {  	s4 =	sld [smem:$0x3FB0]  }
0x2a: {  	p0 =	seq.s32 s5, $0x0;
	s5 =	sld [smem:$0x3FB1]  }
0x2b: {  	s6 =	sld [smem:$0x3FB2]  }
0x2c: {  	s7 =	sld [smem:$0x3FB3]  }
0x2d: {  	s3 =	simm.s32 $0x108;
	s8 =	sld [smem:$0x3FB4]  }
0x2e: {  	s3 =	simm.s32 @!p0 $0x1082;
	s9 =	sld [smem:$0x3FB5]  }
0x2f: {  	lr =	sadd.s32 s0, s3;
	s0 =	sld [smem:$0x3FAC]  }
0x30: {  	s3 =	sld [smem:$0x3FAF]  }
0x31: {  	[smem:$0x3FB8] =	sst s10  }
0x32: {  	s10 =	sld [smem:$0x3FB6];
	_ =	sdelay $0x3  }
0x33: {  	p0 =	seq.s32 s10, $0x1;
	s10 =	sld [smem:$0x3FB8];
	_ =	sdelay $0x3  }
0x34: {  	[smem:$0x3FB8] =	sst s10  }
0x35: {  	s10 =	sld [smem:$0x3FB7];
	_ =	sdelay $0x3  }
0x36: {  	p1 =	seq.s32 s10, $0x1;
	s10 =	sld [smem:$0x3FB8];
	_ =	sdelay $0x3  }
0x37: {  	[smem:$0x3FB8] =	sst s10  }
0x38: {  	s10 =	sld [smem:$0x3FB9]  }
0x39: {  	_ = 	snop;
	(pc) =	sbr.ind lr, $3  }
0x3a: {  	_ = 	snop  }
0x3b: {  	_ = 	snop  }
0x3c: {  	p2 =	seq.s32 s10, $0x1;
	s10 =	sld [smem:$0x3FB8]  }
0x3d: {  	_ =	shalt  }
0x3e: {  	_ =	shalt  }
0x3f: {  	_ =	shalt  }
0x40: {  	_ =	shalt  }
0x41: {  	_ =	shalt  }
0x42: {  	_ =	shalt  }
0x43: {  	_ =	shalt  }
0x44: {  	_ =	shalt  }
0x45: {  	_ =	shalt  }
0x46: {  	_ =	shalt  }
0x47: {  	_ =	shalt  }
0x48: {  	_ =	shalt  }
0x49: {  	_ =	shalt  }
0x4a: {  	_ =	shalt  }
0x4b: {  	_ =	shalt  }
0x4c: {  	_ =	shalt  }
0x4d: {  	_ =	shalt  }
0x4e: {  	_ =	shalt  }
0x4f: {  	_ =	shalt  }
0x50: {  	_ =	shalt  }
0x51: {  	_ =	shalt  }
0x52: {  	_ =	shalt  }
0x53: {  	_ =	shalt  }
0x54: {  	_ =	shalt  }
0x55: {  	_ =	shalt  }
0x56: {  	_ =	shalt  }
0x57: {  	_ =	shalt  }
0x58: {  	_ =	shalt  }
0x59: {  	_ =	shalt  }
0x5a: {  	_ =	shalt  }
0x5b: {  	_ =	shalt  }
0x5c: {  	_ =	shalt  }
0x5d: {  	_ =	shalt  }
0x5e: {  	_ =	shalt  }
0x5f: {  	_ =	shalt  }
0x60: {  	_ =	shalt  }
0x61: {  	_ =	shalt  }
0x62: {  	_ =	shalt  }
0x63: {  	_ =	shalt  }
0x64: {  	_ =	shalt  }
0x65: {  	_ =	shalt  }
0x66: {  	_ =	shalt  }
0x67: {  	_ =	shalt  }
0x68: {  	_ =	shalt  }
0x69: {  	_ =	shalt  }
0x6a: {  	_ =	shalt  }
0x6b: {  	_ =	shalt  }
0x6c: {  	_ =	shalt  }
0x6d: {  	_ =	shalt  }
0x6e: {  	_ =	shalt  }
0x6f: {  	_ =	shalt  }
0x70: {  	_ =	shalt  }
0x71: {  	_ =	shalt  }
0x72: {  	_ =	shalt  }
0x73: {  	_ =	shalt  }
0x74: {  	_ =	shalt  }
0x75: {  	_ =	shalt  }
0x76: {  	_ =	shalt  }
0x77: {  	_ =	shalt  }
0x78: {  	_ =	shalt  }
0x79: {  	_ =	shalt  }
0x7a: {  	_ =	shalt  }
0x7b: {  	_ =	shalt  }
0x7c: {  	_ =	shalt  }
0x7d: {  	_ =	shalt  }
0x7e: {  	_ =	shalt  }
0x7f: {  	_ =	shalt  }
0x80: {  	_ =	shalt  }
0x81: {  	_ =	shalt  }
0x82: {  	_ =	shalt  }
0x83: {  	_ =	shalt  }
0x84: {  	_ =	shalt  }
0x85: {  	_ =	shalt  }
0x86: {  	_ =	shalt  }
0x87: {  	_ =	shalt  }
.Lfunc_end0:
.L_simem_size_0:
called_computation_lowered:
.L_overlay_start_0:
0x88: {  	s2 =	sld [smem:$0x3FD9]  }
0x89: {  	s3 =	sld [smem:$0x3FFE];
	_ =	sdelay $0x1  }
0x8a: {  	s1 =	srdreg.scid  }
0x8b: {  	s0 =	sand.u32 $0x1, s1  }
0x8c: {  	s16 =	sshll.u32 s0, $0xA;
	s2 =	sadd.s32 s3, s2  }
0x8d: {  	s2 =	sadd.s32 s2, s16  }
0x8e: {  	[smem:$0x3FC4] =	sst s2  }
0x8f: {  	_ = 	snop  }
0x90: {  	(tm) =	ssettm $0x1  }
0x91: {  	s17 =	sld [smem:$0x3FFB];
	_ =	sdelay $0x3  }
0x92: {  	_ =	strace s17  }
0x93: {  	s2 =	sld [smem:$0x3FFC];
	_ =	sdelay $0x3  }
0x94: {  	_ =	strace s2  }
0x95: {  	s2 =	sld [smem:$0x3FFD];
	_ =	sdelay $0x3  }
0x96: {  	_ =	strace s2  }
0x97: {  	_ =	strace $0x8FFFFFFF  }
0x98: {  	s18 =	sld [smem:$0x3FDB];
	_ =	sdelay $0x1  }
0x99: {  	s19 =	simm.s32 $_scs_section_size  }
0x9a: {  	s4 =	simm.s32 $_size__tile_overlayer_lowered;
	s5 =	simm.s32 $_tile_overlayer_lowered  }
0x9b: {  	s22 =	simm.s32 $0x1BFF;
	s21 =	sshll.u32 s5, $0x1;
	s2 =	sadd.s32 s19, s18  }
0x9c: {  	s6 =	simm.s32 $0x0;
	s20 =	sshll.u32 s4, $0x1;
	s4 =	sadd.s32 s21, s2  }
0x9d: {  	[timem:s6], [sflag:s22] =	dma.local [hbm:s4], s20  }
0x9e: {  	_ =	swait.ge [sflag:s22], s20  }
0x9f: {  	s3 =	ssub.s32 $0x0, s20;
	[sflag:s22] =	ssyncset.done $0x0  }
0xa0: {  	[sflag:s22] =	ssyncadd.s32 s3;
	_ =	sdelay $0x1  }
0xa1: {  	s23 =	simm.s32 $0x1B8B  }
0xa2: {  	_ =	swait.ge [sflag:s23], $0x1  }
0xa3: {  	[sflag:s23] =	ssyncset.done $0x0  }
0xa4: {  	s25 =	simm.s32 $0x1B8E;
	s24 =	sld [smem:$0x3FFE];
	[sflag:s23] =	ssyncadd.s32 $0xFFFFFFFF  }
0xa5: {  	s26 =	simm.s32 $execute0_lowered;
	[smem:$0x3FD2] =	sst s25  }
0xa6: {  	s4 =	sshll.u32 s26, $0x1;
	_ =	strace $0x80000046;
	[dreg:$0x1] =	wrdreg $0xFFFFFFFF  }
0xa7: {  	s28 =	simm.s32 $_size_execute0_lowered;
	s2 =	sadd.s32 s2, s4;
	[dreg:$0x0] =	wrdreg $0x0  }
0xa8: {  	s4 =	sshll.u32 s28, $0x1;
	[dreg:$0x2] =	wrdreg s2  }
0xa9: {  	[dreg:$0x3] =	wrdreg s4  }
0xaa: {  	[dreg:$0x4] =	wrdreg $0xC0  }
0xab: {  	_ =	task [dreg:s6], $0x5FFFF  }
0xac: {  	[dreg:$0x1] =	wrdreg $0xFFFFFFFF  }
0xad: {  	[dreg:$0x0] =	wrdreg $0x60  }
0xae: {  	[dreg:$0x2] =	wrdreg s24  }
0xaf: {  	[dreg:$0x3] =	wrdreg $0x68000  }
0xb0: {  	[dreg:$0x4] =	wrdreg $0x9  }
0xb1: {  	_ =	task.clear_ibuf [dreg:s6], $0x5FFFF;
	_ =	strace $0x90000046  }
0xb2: {  	s29 =	simm.s32 $0x9;
	_ =	strace $0x80000048  }
0xb3: {  	_ =	swait.ge [sflag:s29], $0x1  }
0xb4: {  	[sflag:s29] =	ssyncadd.s32 $0xFFFFFFFF  }
0xb5: {  	_ =	strace $0x90000048  }
0xb6: {  	_ =	sfence  }
0xb7: {  	s30 =	sld [smem:$0x0];
	_ =	sdelay $0x2  }
0xb8: {  	s31 =	sshll.u32 s1, $0xD;
	s1 =	sshrl.u32 s1, $0x2  }
0xb9: {  	s3 =	sand.u32 $0x4000, s31;
	s1 =	sadd.s32 s1, s30  }
0xba: {  	s0 =	sor.u32 s3, s0;
	s1 =	sshll.u32 s1, $0x11  }
0xbb: {  	s0 =	sor.u32 s1, s0  }
0xbc: {  	s0 =	sadd.s32 $0x8F2B, s0  }
0xbd: {  	[sflag:s0] =	ssyncadd.remote.s32 $0x1  }
0xbe: {  	_ =	sfence.sel $0xFFFF  }
0xbf: {  	[dreg:$0x0] =	wrdreg $0xFFFFFFFF;
	(pc) =	sbr.abs _section_cstart, $3  }
0xc0: {  	[dreg:$0x1] =	wrdreg $0xFFFFFFFF  }
0xc1: {  	_ =	task.clear_ibuf [dreg:s6], $0x2FFFF;
	_ =	strace $0x9FFFFFFF  }
0xc2: {  	(tm) =	ssettm $0x7FFFFFFF  }
0xc3: {  	_ =	shalt  }
tec
execute0_lowered:
.L_overlay_start_1:
0x0: {  	(tag) =	ssettag $0x1  }
0x1: {  	s7 =	rddreg [dreg:$0x0]  }
0x2: {  	s0 =	srdreg.scid;
	s2 =	rddreg [dreg:$0x1]  }
0x3: {  	s3 =	simm.s32 $0x0;
	s12 =	simm.s32 $0x2800;
	s6 =	sand.u32 $0x1, s0  }
0x4: {  	s13 =	simm.s32 $0x80;
	s0 =	stileid.u32;
	s5 =	smul.u32 $0x140000, s6  }
0x5: {  	s14 =	simm.s32 $0x0;
	[smem:$0x7FF] =	sst s3;
	s8 =	smul.u32 $0x14000, s0  }
0x6: {  	s1 =	sshll.u32 s6, $0x4;
	s10 =	smul.u32 $0x50000, s0;
	s6 =	ssub.s32 $0x2, s6  }
0x7: {  	s31 =	sshll.u32 s0, $0x6;
	s1 =	sor.u32 s0, s1;
	s30 =	sshrl.u32 s6, $0x1  }
0x8: {  	s4 =	smul.u32 $0x500, s1;
	s1 =	rddreg [dreg:$0x2];
	_ =	strace $0x80000047  }
0x9: {  	s8 =	sadd.s32 s8, s5;
	s5 =	sadd.s32 $0xDA00, s7;
	s10 =	sshrl.u32 s10, $0x2  }
0xa: {  	s11 =	ssub.s32 s6, s30;
	s6 =	sor.u32 $0x1C01, s31;
	s8 =	sshrl.u32 s8, $0x3  }
0xb: {  	s10 =	sadd.s32 s10, s2;
	s9 =	sadd.s32 s4, s7;
	s4 =	sadd.s32 $0xD200, s7  }
0xc: {  	s8 =	sadd.s32 s8, s7;
	s10 =	sshrl.u32 s10, $0x3;
	s7 =	sadd.s32 $0x3200, s9  }
0xd: {  	s8 =	sadd.s32 $0x10200, s8;
	s9 =	smax.u32 s11, $0x1;
	s11 =	simm.s32 $0x1  }
.LBB2_1:
0xe: {  	[spmem:s10], [sflag:s6] =	dma.local [hbm:s5], $0x2800  }
0xf: {  	_ =	swait.ge [sflag:s11], $0x2800  }
0x10: {  	[sflag:s11] =	ssyncset.done $0x0  }
0x11: {  	[sflag:s11] =	ssyncadd.s32 $0xFFFFD800  }
0x12: {  	[tilespmem:s3], [sflag:$0x1] =	stream.linear.gather [hbm4b:s7+s3], $0x2800, $0x38;
	[tilespmem:$0x1A800] =	vst v63  }
0x13: {  	_ =	swait.ge [sflag:s11], $0x2800  }
0x14: {  	[sflag:s11] =	ssyncset.done $0x0  }
0x15: {  	[sflag:s11] =	ssyncadd.s32 $0xFFFFD800  }
0x16: {  	[tilespmem:s12], [sflag:$0x1] =	stream.linear.gather [hbm4b:s4+s3], $0x4000, $0x38;
	[tilespmem:$0x1A800] =	vst v63  }
0x17: {  	_ =	swait.ge [sflag:s11], $0x4000  }
0x18: {  	[sflag:s11] =	ssyncset.done $0x0  }
0x19: {  	[sflag:s11] =	ssyncadd.s32 $0xFFFFC000  }
0x1a: {  	s15 =	simm.s32 $0x0;
	[bflag:$0x0] =	sbarrier.arrive $0xFFFF  }
0x1b: {  	[spmem:s2] =	stream.indirect.scatter.add.f32 [tilespmem:s12], [sflag:$0x1], $0x80, s15, s13, $0xb8;
	[tilespmem:$0x1A800] =	vst v63  }
0x1c: {  	_ =	swait.ge [sflag:s11], $0x4000  }
0x1d: {  	s15 =	simm.s32 $0x200;
	[sflag:s11] =	ssyncset.done $0x0  }
.LBB2_2:
0x1e: {  	s16 =	sshra.s32 s15, $0x2;
	[sflag:s11] =	ssyncadd.s32 $0xFFFFC000;
	p0 =	sne.s32 s15, $0x9E00  }
0x1f: {  	[spmem:s2] =	stream.indirect.scatter.add.f32 [tilespmem:s12], [sflag:$0x1], $0x80, s16, s13, $0xb8;
	[tilespmem:$0x1A800] =	vst v63  }
.Ltmp0:
0x20: {  	_ = 	snop;
	(pc) =	sbr.rel @p0 .LBB2_2-.Ltmp0, $4  }
0x21: {  	_ = 	snop  }
0x22: {  	s15 =	sadd.s32 $0x200, s15  }
0x23: {  	_ =	swait.ge [sflag:s11], $0x4000  }
0x24: {  	[sflag:s11] =	ssyncset.done $0x0  }
0x25: {  	s14 =	sadd.s32 $0x1, s14  }
0x26: {  	[sflag:s11] =	ssyncadd.s32 $0xFFFFC000;
	p0 =	sne.s32 s14, s9  }
.Ltmp1:
0x27: {  	[bflag:$0x0] =	sbarrier.arrive $0xFFFF;
	(pc) =	sbr.rel @p0 .LBB2_1-.Ltmp1, $4  }
0x28: {  	[hbm:s8], [sflag:s6] =	dma.local [spmem:s10], $0x2800  }
0x29: {  	_ =	swait.ge [sflag:s11], $0x2800  }
0x2a: {  	[sflag:s11] =	ssyncset.done $0x0  }
0x2b: {  	[sflag:s11] =	ssyncadd.s32 $0xFFFFD800  }
0x2c: {  	_ =	sfence.sel $0x180000  }
0x2d: {  	[bflag:$0x0] =	sbarrier.arrive $0xFFFF  }
0x2e: {  	p0 =	sne.s32 s0, $0x0;
	_ =	strace $0x90000047  }
0x2f: {  	s0 =	sadd.s32 @!p0 $0x100000, s1;
	[bflag:$0x2] =	sbarrier.arrive $0xFFFF  }
0x30: {  	[sflag:s0] =	ssyncadd.tile.s32 @!p0 $0x1;
	_ =	shalt  }
.Lfunc_end2:
_tile_overlayer_lowered:
.L_overlay_start_2:
0x31: {  	(tag) =	ssettag $0x2  }
0x32: {  	s0 =	rddreg [dreg:$0x0];
	s2 =	stileid.u32  }
0x33: {  	s1 =	rddreg [dreg:$0x1];
	p0 =	sne.s32 s2, $0x0  }
0x34: {  	s3 =	rddreg [dreg:$0x2];
	[bflag:$0x3] =	sbarrier.arrive $0xFFFF;
	s2 =	simm.s32 @!p0 $0x1C01  }
0x35: {  	[timem:s3], [sflag:s2] =	dma.local @!p0 [hbm:s0], s1  }
0x36: {  	s0 =	simm.s32 @!p0 $0x1  }
0x37: {  	_ =	swait.ge @!p0 [sflag:s0], s1  }
0x38: {  	s1 =	ssub.s32 @!p0 $0x0, s1;
	[sflag:s0] =	ssyncset.done @!p0 $0x0  }
0x39: {  	[sflag:s0] =	ssyncadd.s32 @!p0 s1  }
0x3a: {  	[bflag:$0x3] =	sbarrier.arrive $0xFFFF  }
0x3b: {  	_ =	shalt  }

</sc_bundles>
